<compile_context>
chip_gen: v7x
topology: tpu7x:2x2x1
jax: 0.10.2.dev20260603
libtpu: 0.0.44.dev20260713+nightly
codegen_flags: <defaults>
</compile_context>

<pallas_src>
import functools

import jax
import jax.numpy as jnp
from jax import lax
from jax.experimental import pallas as pl
from jax.experimental.pallas import tpu as pltpu
from jax.experimental.pallas import tpu_sc as plsc

NPIX = 2048
NCELL = NPIX * NPIX
N = 4194304
SENT = NCELL

HALF = NCELL // 2
PACKED = HALF // 2
NDUMP = 2048
HSIZE = PACKED + NDUMP
INIT_PER_TILE = HSIZE // 16
OUT_PER_TILE = PACKED // 16

B_H = 4096
SCAN_PER_TILE = N // 16

B_G = 4096
G_PER_TILE = N // 32


def _idx_body(u_ref, v_ref, ind_ref, mask_ref):
    u = u_ref[...]
    v = v_ref[...]
    fl = v < 0.0
    us = jnp.where(fl, -u, u)
    vs = jnp.where(fl, -v, v)
    p = jnp.floor((us + 1.0) * (NPIX / 2.0)).astype(jnp.int32)
    q = jnp.floor((vs + 1.0) * (NPIX / 2.0)).astype(jnp.int32)
    valid = (p >= 0) & (p < NPIX) & (q >= 0) & (q < NPIX)
    ind = jnp.where(valid, p * NPIX + jnp.where(valid, q, 0), SENT)
    ind_ref[...] = ind
    mask_ref[...] = valid


_IDX_BLOCK = 524288

_idx_call = pl.pallas_call(
    _idx_body,
    grid=(N // _IDX_BLOCK,),
    in_specs=[pl.BlockSpec((_IDX_BLOCK,), lambda i: (i,)),
              pl.BlockSpec((_IDX_BLOCK,), lambda i: (i,))],
    out_specs=[pl.BlockSpec((_IDX_BLOCK,), lambda i: (i,)),
               pl.BlockSpec((_IDX_BLOCK,), lambda i: (i,))],
    out_shape=[jax.ShapeDtypeStruct((N,), jnp.int32),
               jax.ShapeDtypeStruct((N,), jnp.bool_)],
)


_NCH = SCAN_PER_TILE // B_H



def _hist_body(ind_hbm, out_hbm, hist_sh,
               stage0, stage1, cidx0, cidx1, cval0, cval1,
               isem0, isem1, fsem0, fsem1, zsem):
    c = lax.axis_index("c")
    s = lax.axis_index("s")
    base = c * HALF
    iota = lax.iota(jnp.int32, 16)
    bufs = [(stage0, cidx0, cval0, isem0, fsem0),
            (stage1, cidx1, cval1, isem1, fsem1)]

    def zfill(j, _):
        cval0[pl.ds(j * 16, 16)] = jnp.zeros((16,), jnp.float32)
        return 0
    lax.fori_loop(0, B_H // 16, zfill, 0)

    zoff = s * INIT_PER_TILE
    for i in range(INIT_PER_TILE // B_H):
        pltpu.async_copy(cval0, hist_sh.at[pl.ds(zoff + i * B_H, B_H)],
                         zsem)
    pltpu.async_copy(cval0.at[pl.ds(0, INIT_PER_TILE % B_H)],
                     hist_sh.at[pl.ds(zoff + (INIT_PER_TILE // B_H) * B_H,
                                      INIT_PER_TILE % B_H)], zsem)
    for i in range(INIT_PER_TILE // B_H):
        pltpu.make_async_copy(cval0, hist_sh.at[pl.ds(0, B_H)],
                              zsem).wait()
    pltpu.make_async_copy(
        cval0.at[pl.ds(0, INIT_PER_TILE % B_H)],
        hist_sh.at[pl.ds(0, INIT_PER_TILE % B_H)], zsem).wait()
    plsc.subcore_barrier()

    dump_base = PACKED + s * 128

    def off(kk):
        return s * SCAN_PER_TILE + kk * B_H

    for b in range(2):
        stage, ci, cv, isem, fsem = bufs[b]
        pltpu.async_copy(ind_hbm.at[pl.ds(off(b), B_H)], stage, isem)

    def pair(k2, _):
        for b in range(2):
            stage, ci, cv, isem, fsem = bufs[b]
            kk = k2 * 2 + b
            pltpu.make_async_copy(
                ind_hbm.at[pl.ds(0, B_H)], stage, isem).wait()

            @pl.when(kk >= 2)
            def _credit():
                pltpu.make_async_copy(cv, hist_sh.at[ci], fsem).wait()

            def vec(j, _):
                iv = stage[pl.ds(j * 16, 16)]
                local = iv - base
                ok = (local >= 0) & (local < HALF)
                word = local & (PACKED - 1)
                dump = dump_base + ((j * 16 + iota) & 127)
                ci[pl.ds(j * 16, 16)] = jnp.where(ok, word, dump)
                cv[pl.ds(j * 16, 16)] = jnp.where(
                    ok, jnp.where(local >= PACKED, 4096.0, 1.0), 0.0)
                return 0
            lax.fori_loop(0, B_H // 16, vec, 0)

            pltpu.async_copy(cv, hist_sh.at[ci], fsem, add=True)

            @pl.when(kk + 2 < _NCH)
            def _prefetch():
                pltpu.async_copy(ind_hbm.at[pl.ds(off(kk + 2), B_H)],
                                 stage, isem)
        return 0
    lax.fori_loop(0, _NCH // 2, pair, 0)

    for b in range(2):
        stage, ci, cv, isem, fsem = bufs[b]
        pltpu.make_async_copy(cv, hist_sh.at[ci], fsem).wait()
    plsc.subcore_barrier()

    pltpu.sync_copy(hist_sh.at[pl.ds(s * OUT_PER_TILE, OUT_PER_TILE)],
                    out_hbm.at[pl.ds(c * PACKED + s * OUT_PER_TILE,
                                     OUT_PER_TILE)])


_hist_call = functools.partial(
    pl.kernel,
    out_type=jax.ShapeDtypeStruct((2 * PACKED,), jnp.float32),
    mesh=plsc.VectorSubcoreMesh(core_axis_name="c", subcore_axis_name="s"),
    scratch_types=[
        pltpu.VMEM_SHARED((HSIZE,), jnp.float32),
        pltpu.VMEM((B_H,), jnp.int32),
        pltpu.VMEM((B_H,), jnp.int32),
        pltpu.VMEM((B_H,), jnp.int32),
        pltpu.VMEM((B_H,), jnp.int32),
        pltpu.VMEM((B_H,), jnp.float32),
        pltpu.VMEM((B_H,), jnp.float32),
        pltpu.SemaphoreType.DMA,
        pltpu.SemaphoreType.DMA,
        pltpu.SemaphoreType.DMA,
        pltpu.SemaphoreType.DMA,
        pltpu.SemaphoreType.DMA,
    ],
)(_hist_body)


_BAND = 256
_NB = NPIX // _BAND



def _pk(k):
    return (k & 1) + 2 * (k >> 2)


def _use_b(k):
    return ((k >> 1) & 1) == 1


def _unpack(xp, use_b):
    b = jnp.floor(xp * (1.0 / 4096.0))
    a = xp - b * 4096.0
    return jnp.where(use_b, b, a)


def _conv_body(prev_ref, cur_ref, next_ref, o_ref):
    k = pl.program_id(0)
    x = _unpack(cur_ref[...], _use_b(k))
    top2 = _unpack(prev_ref[_BAND - 2:, :], _use_b(k - 1))
    top2 = jnp.where(k == 0, jnp.zeros_like(top2), top2)
    bot2 = _unpack(next_ref[:2, :], _use_b(k + 1))
    bot2 = jnp.where(k == _NB - 1, jnp.zeros_like(bot2), bot2)
    ext = jnp.concatenate([top2, x, bot2], axis=0)
    z1 = jnp.zeros((_BAND + 4, 1), jnp.float32)
    z2 = jnp.zeros((_BAND + 4, 2), jnp.float32)
    rs = ext
    rs = rs + jnp.concatenate([ext[:, 1:], z1], axis=1)
    rs = rs + jnp.concatenate([z1, ext[:, :-1]], axis=1)
    rs = rs + jnp.concatenate([ext[:, 2:], z2], axis=1)
    rs = rs + jnp.concatenate([z2, ext[:, :-2]], axis=1)
    cs = (rs[0:_BAND] + rs[1:_BAND + 1] + rs[2:_BAND + 2]
          + rs[3:_BAND + 3] + rs[4:_BAND + 4])
    o_ref[...] = cs * (1.0 / 25.0)


_conv_call = pl.pallas_call(
    _conv_body,
    grid=(_NB,),
    in_specs=[
        pl.BlockSpec((_BAND, NPIX), lambda k: (_pk(jnp.maximum(k - 1, 0)), 0)),
        pl.BlockSpec((_BAND, NPIX), lambda k: (_pk(k), 0)),
        pl.BlockSpec((_BAND, NPIX),
                     lambda k: (_pk(jnp.minimum(k + 1, _NB - 1)), 0)),
    ],
    out_specs=pl.BlockSpec((_BAND, NPIX), lambda k: (k, 0)),
    out_shape=jax.ShapeDtypeStruct((NPIX, NPIX), jnp.float32),
)


_NCG = G_PER_TILE // B_G


def _gather_body(ind_hbm, sm_hbm, w_hbm,
                 stage0, stage1, lidx0, lidx1, dens0, dens1, wbuf0, wbuf1,
                 isem0, isem1, gsem0, gsem1, osem0, osem1):
    c = lax.axis_index("c")
    s = lax.axis_index("s")
    wid = c * 16 + s
    bufs = [(stage0, lidx0, dens0, wbuf0, isem0, gsem0, osem0),
            (stage1, lidx1, dens1, wbuf1, isem1, gsem1, osem1)]

    def off(kk):
        return wid * G_PER_TILE + kk * B_G

    def compute_w(stage, dens, wbuf):
        def vec2(j, _):
            dv = dens[pl.ds(j * 16, 16)]
            iv = stage[pl.ds(j * 16, 16)]
            w = jnp.where(iv < SENT, 1.0 / jnp.maximum(dv, 1e-8), 0.0)
            wbuf[pl.ds(j * 16, 16)] = w
            return 0
        lax.fori_loop(0, B_G // 16, vec2, 0)

    pltpu.async_copy(ind_hbm.at[pl.ds(off(0), B_G)], stage0, isem0)

    def pair(k2, _):
        for b in range(2):
            stage, lidx, dens, wbuf, isem, gsem, osem = bufs[b]
            stage_q, lidx_q, dens_q, wbuf_q, isem_q, gsem_q, osem_q = \
                bufs[1 - b]
            kk = k2 * 2 + b
            pltpu.make_async_copy(
                ind_hbm.at[pl.ds(0, B_G)], stage, isem).wait()

            def vec1(j, _):
                iv = stage[pl.ds(j * 16, 16)]
                lidx[pl.ds(j * 16, 16)] = jnp.minimum(iv, NCELL - 1)
                return 0
            lax.fori_loop(0, B_G // 16, vec1, 0)
            pltpu.async_copy(sm_hbm.at[lidx], dens, gsem)

            @pl.when(kk >= 1)
            def _finish_prev():
                pltpu.make_async_copy(
                    sm_hbm.at[lidx_q], dens_q, gsem_q).wait()

                @pl.when(kk >= 3)
                def _drain_out():
                    pltpu.make_async_copy(
                        wbuf_q, w_hbm.at[pl.ds(0, B_G)], osem_q).wait()
                compute_w(stage_q, dens_q, wbuf_q)
                pltpu.async_copy(wbuf_q, w_hbm.at[pl.ds(off(kk - 1), B_G)],
                                 osem_q)

            @pl.when(kk + 1 < _NCG)
            def _prefetch():
                pltpu.async_copy(ind_hbm.at[pl.ds(off(kk + 1), B_G)],
                                 stage_q, isem_q)
        return 0
    lax.fori_loop(0, _NCG // 2, pair, 0)

    stage, lidx, dens, wbuf, isem, gsem, osem = bufs[(_NCG - 1) % 2]
    pltpu.make_async_copy(sm_hbm.at[lidx], dens, gsem).wait()
    pltpu.make_async_copy(wbuf, w_hbm.at[pl.ds(0, B_G)], osem).wait()
    compute_w(stage, dens, wbuf)
    pltpu.async_copy(wbuf, w_hbm.at[pl.ds(off(_NCG - 1), B_G)], osem)
    for b in range(2):
        stage, lidx, dens, wbuf, isem, gsem, osem = bufs[b]
        pltpu.make_async_copy(wbuf, w_hbm.at[pl.ds(0, B_G)], osem).wait()


_gather_call = functools.partial(
    pl.kernel,
    out_type=jax.ShapeDtypeStruct((N,), jnp.float32),
    mesh=plsc.VectorSubcoreMesh(core_axis_name="c", subcore_axis_name="s"),
    scratch_types=[
        pltpu.VMEM((B_G,), jnp.int32),
        pltpu.VMEM((B_G,), jnp.int32),
        pltpu.VMEM((B_G,), jnp.int32),
        pltpu.VMEM((B_G,), jnp.int32),
        pltpu.VMEM((B_G,), jnp.float32),
        pltpu.VMEM((B_G,), jnp.float32),
        pltpu.VMEM((B_G,), jnp.float32),
        pltpu.VMEM((B_G,), jnp.float32),
        pltpu.SemaphoreType.DMA,
        pltpu.SemaphoreType.DMA,
        pltpu.SemaphoreType.DMA,
        pltpu.SemaphoreType.DMA,
        pltpu.SemaphoreType.DMA,
        pltpu.SemaphoreType.DMA,
    ],
)(_gather_body)


def kernel(u, v):
    ind, mask = _idx_call(u, v)
    hist = _hist_call(ind)
    ph = hist.reshape(NPIX // 2, NPIX)
    smoothed = _conv_call(ph, ph, ph)
    weights = _gather_call(ind, smoothed.reshape(-1))
    return weights, mask

# --- scband reference (transcript-rebuilt; emitter-appended) ---
"""Pipeline reference for scband-deepinv-dirty-imager-79293686219418 (READ-ONLY COPY).

The authoritative reference and input builder live on the scoring server;
editing this copy changes nothing except your own understanding.
"""

import jax, jax.numpy as jnp
import numpy as np

NPIXEL = 2048
KERNEL_SIZE = 5
N_SAMPLES = 4194304


def setup_inputs(seed: int = 0) -> dict:
    key = jax.random.key(seed)
    k1, k2 = jax.random.split(key)
    # uv coords roughly normalized to [-1, 1); scale normal so most samples land on grid
    u = jax.random.normal(k1, (N_SAMPLES,), dtype=jnp.float32) * 0.35
    v = jax.random.normal(k2, (N_SAMPLES,), dtype=jnp.float32) * 0.35
    return {"u": u, "v": v}


def reference(u, v):
    # Faithful JAX translation of DeepinvDirtyImager.uniform_weighting
    N0 = NPIXEL
    N1 = NPIXEL
    ks = KERNEL_SIZE
    # Hermitian symmetry: flip samples with v < 0
    flip_mask = v < 0
    u_sym = jnp.where(flip_mask, -u, u)
    v_sym = jnp.where(flip_mask, -v, v)
    # bin indices
    p = jnp.floor((u_sym + 1.0) * N0 / 2.0).astype(jnp.int32)
    q = jnp.floor((v_sym + 1.0) * N1 / 2.0).astype(jnp.int32)
    valid_mask = (p >= 0) & (p < N0) & (q >= 0) & (q < N1)
    # static-shape variant of boolean indexing: clip + zero contribution for invalid
    p_c = jnp.clip(p, 0, N0 - 1)
    q_c = jnp.clip(q, 0, N1 - 1)
    uvInd = p_c * N1 + q_c
    contrib = jnp.where(valid_mask, 1.0, 0.0).astype(jnp.float32)
    # histogram via scatter-add
    gridded_weights = jnp.zeros(N0 * N1, dtype=jnp.float32).at[uvInd].add(contrib)
    gridded_weights_2d = gridded_weights.reshape(1, 1, N0, N1)
    # smoothing: conv2d with uniform kernel (CPU branch of original code)
    kernel = jnp.ones((1, 1, ks, ks), dtype=jnp.float32) / float(ks * ks)
    pad = ks // 2
    smoothed = jax.lax.conv_general_dilated(
        gridded_weights_2d, kernel,
        window_strides=(1, 1),
        padding=[(pad, pad), (pad, pad)],
        dimension_numbers=("NCHW", "OIHW", "NCHW"),
    )
    gridded_weights_flat = smoothed.reshape(-1)
    # per-sample uniform weights = 1 / local smoothed density (gather)
    dens = jnp.take(gridded_weights_flat, uvInd)
    weights = jnp.where(valid_mask, 1.0 / jnp.maximum(dens, 1e-8), 0.0)
    return weights, valid_mask

if __name__ == "__main__":
    import jax
    _d = setup_inputs()
    print(jax.jit(kernel)(*tuple(_d.values())))

</pallas_src>

<mosaic_0001>
#map = affine_map<(d0, d1) -> (0)>
module attributes {stable_mosaic.version = 14 : i64} {
  func.func @_hist_body(%arg0: i32, %arg1: i32, %arg2: memref<4194304xi32, #tpu.memory_space<hbm>>, %arg3: memref<2097152xf32, #tpu.memory_space<hbm>>, %arg4: memref<1050624xf32, #tpu.memory_space<vmem_shared>>, %arg5: memref<4096xi32, #tpu.memory_space<vmem>>, %arg6: memref<4096xi32, #tpu.memory_space<vmem>>, %arg7: memref<4096xi32, #tpu.memory_space<vmem>>, %arg8: memref<4096xi32, #tpu.memory_space<vmem>>, %arg9: memref<4096xf32, #tpu.memory_space<vmem>>, %arg10: memref<4096xf32, #tpu.memory_space<vmem>>, %arg11: memref<!tpu.dma_semaphore, #tpu.memory_space<semaphore_mem>>, %arg12: memref<!tpu.dma_semaphore, #tpu.memory_space<semaphore_mem>>, %arg13: memref<!tpu.dma_semaphore, #tpu.memory_space<semaphore_mem>>, %arg14: memref<!tpu.dma_semaphore, #tpu.memory_space<semaphore_mem>>, %arg15: memref<!tpu.dma_semaphore, #tpu.memory_space<semaphore_mem>>) attributes {dimension_semantics = [#tpu.dimension_semantics<core_parallel>, #tpu.dimension_semantics<subcore_parallel>], iteration_bounds = array<i64: 2, 16>, scalar_prefetch = 0 : i64, scratch_operands = 12 : i64, tpu.core_type = #tpu.core_type<sc_vector_subcore>, window_params = [{transform_indices = #map}, {transform_indices = #map}]} {
    %mul3A = arith.constant 2097152 : i32
    %mul3A_0 = arith.muli %arg0, %mul3A : i32
    %iota3A = tpu.iota {dimensions = array<i32: 0>} : vector<16xi32>
    %scan3A = arith.constant 0 : i32
    %scan3A_1 = arith.constant 0 : i32
    %scan3A_2 = arith.constant 256 : i32
    %scan3A_3 = arith.addi %scan3A_1, %scan3A_2 : i32
    %scan3A_4 = arith.constant 1 : i32
    %scan3A_5 = scf.for %scan3A_185 = %scan3A_1 to %scan3A_3 step %scan3A_4 iter_args(%scan3A_186 = %scan3A) -> (i32)  : i32 {
      %broadcast_in_dim3A = arith.constant 0.000000e+00 : f32
      %broadcast_in_dim3A_187 = vector.broadcast %broadcast_in_dim3A : f32 to vector<16xf32>
      %mul3A_188 = arith.constant 16 : i32
      %mul3A_189 = arith.muli %scan3A_185, %mul3A_188 : i32
      %swap3A = arith.index_cast %mul3A_189 : i32 to index
      %swap3A_190 = tpu.vector_load %arg9[%swap3A] {strides = array<i32>} : memref<4096xf32, #tpu.memory_space<vmem>>, vector<16xf32>,
      %swap3A_191 = vector.shape_cast %swap3A_190 : vector<16xf32> to vector<16xf32>
      %swap3A_192 = vector.shape_cast %broadcast_in_dim3A_187 : vector<16xf32> to vector<16xf32>
      tpu.vector_store %arg9[%swap3A], %swap3A_192 {strides = array<i32>} : memref<4096xf32, #tpu.memory_space<vmem>>, vector<16xf32>,
      %scan3A_193 = arith.constant 0 : i32
      scf.yield %scan3A_193 : i32
    }
    %scan3A_6 = arith.constant 256 : i32
    %mul3A_7 = arith.constant 65664 : i32
    %mul3A_8 = arith.muli %arg1, %mul3A_7 : i32
    %add3A = arith.constant 0 : i32
    %add3A_9 = arith.addi %mul3A_8, %add3A : i32
    %dma_start3A = tpu.memref_slice %arg4[%add3A_9] : memref<1050624xf32, #tpu.memory_space<vmem_shared>> -> memref<4096xf32, #tpu.memory_space<vmem_shared>>
    %dma_start3A_10 = tpu.memref_slice %arg4[%add3A_9] : memref<1050624xf32, #tpu.memory_space<vmem_shared>> -> memref<4096xf32, #tpu.memory_space<vmem_shared>>
    tpu.enqueue_dma source(%arg9 : memref<4096xf32, #tpu.memory_space<vmem>>) target(%dma_start3A_10 : memref<4096xf32, #tpu.memory_space<vmem_shared>>) target_semaphore(%arg15 : memref<!tpu.dma_semaphore, #tpu.memory_space<semaphore_mem>>)
    %add3A_11 = arith.constant 4096 : i32
    %add3A_12 = arith.addi %mul3A_8, %add3A_11 : i32
    %dma_start3A_13 = tpu.memref_slice %arg4[%add3A_12] : memref<1050624xf32, #tpu.memory_space<vmem_shared>> -> memref<4096xf32, #tpu.memory_space<vmem_shared>>
    %dma_start3A_14 = tpu.memref_slice %arg4[%add3A_12] : memref<1050624xf32, #tpu.memory_space<vmem_shared>> -> memref<4096xf32, #tpu.memory_space<vmem_shared>>
    tpu.enqueue_dma source(%arg9 : memref<4096xf32, #tpu.memory_space<vmem>>) target(%dma_start3A_14 : memref<4096xf32, #tpu.memory_space<vmem_shared>>) target_semaphore(%arg15 : memref<!tpu.dma_semaphore, #tpu.memory_space<semaphore_mem>>)
    %add3A_15 = arith.constant 8192 : i32
    %add3A_16 = arith.addi %mul3A_8, %add3A_15 : i32
    %dma_start3A_17 = tpu.memref_slice %arg4[%add3A_16] : memref<1050624xf32, #tpu.memory_space<vmem_shared>> -> memref<4096xf32, #tpu.memory_space<vmem_shared>>
    %dma_start3A_18 = tpu.memref_slice %arg4[%add3A_16] : memref<1050624xf32, #tpu.memory_space<vmem_shared>> -> memref<4096xf32, #tpu.memory_space<vmem_shared>>
    tpu.enqueue_dma source(%arg9 : memref<4096xf32, #tpu.memory_space<vmem>>) target(%dma_start3A_18 : memref<4096xf32, #tpu.memory_space<vmem_shared>>) target_semaphore(%arg15 : memref<!tpu.dma_semaphore, #tpu.memory_space<semaphore_mem>>)
    %add3A_19 = arith.constant 12288 : i32
    %add3A_20 = arith.addi %mul3A_8, %add3A_19 : i32
    %dma_start3A_21 = tpu.memref_slice %arg4[%add3A_20] : memref<1050624xf32, #tpu.memory_space<vmem_shared>> -> memref<4096xf32, #tpu.memory_space<vmem_shared>>
    %dma_start3A_22 = tpu.memref_slice %arg4[%add3A_20] : memref<1050624xf32, #tpu.memory_space<vmem_shared>> -> memref<4096xf32, #tpu.memory_space<vmem_shared>>
    tpu.enqueue_dma source(%arg9 : memref<4096xf32, #tpu.memory_space<vmem>>) target(%dma_start3A_22 : memref<4096xf32, #tpu.memory_space<vmem_shared>>) target_semaphore(%arg15 : memref<!tpu.dma_semaphore, #tpu.memory_space<semaphore_mem>>)
    %add3A_23 = arith.constant 16384 : i32
    %add3A_24 = arith.addi %mul3A_8, %add3A_23 : i32
    %dma_start3A_25 = tpu.memref_slice %arg4[%add3A_24] : memref<1050624xf32, #tpu.memory_space<vmem_shared>> -> memref<4096xf32, #tpu.memory_space<vmem_shared>>
    %dma_start3A_26 = tpu.memref_slice %arg4[%add3A_24] : memref<1050624xf32, #tpu.memory_space<vmem_shared>> -> memref<4096xf32, #tpu.memory_space<vmem_shared>>
    tpu.enqueue_dma source(%arg9 : memref<4096xf32, #tpu.memory_space<vmem>>) target(%dma_start3A_26 : memref<4096xf32, #tpu.memory_space<vmem_shared>>) target_semaphore(%arg15 : memref<!tpu.dma_semaphore, #tpu.memory_space<semaphore_mem>>)
    %add3A_27 = arith.constant 20480 : i32
    %add3A_28 = arith.addi %mul3A_8, %add3A_27 : i32
    %dma_start3A_29 = tpu.memref_slice %arg4[%add3A_28] : memref<1050624xf32, #tpu.memory_space<vmem_shared>> -> memref<4096xf32, #tpu.memory_space<vmem_shared>>
    %dma_start3A_30 = tpu.memref_slice %arg4[%add3A_28] : memref<1050624xf32, #tpu.memory_space<vmem_shared>> -> memref<4096xf32, #tpu.memory_space<vmem_shared>>
    tpu.enqueue_dma source(%arg9 : memref<4096xf32, #tpu.memory_space<vmem>>) target(%dma_start3A_30 : memref<4096xf32, #tpu.memory_space<vmem_shared>>) target_semaphore(%arg15 : memref<!tpu.dma_semaphore, #tpu.memory_space<semaphore_mem>>)
    %add3A_31 = arith.constant 24576 : i32
    %add3A_32 = arith.addi %mul3A_8, %add3A_31 : i32
    %dma_start3A_33 = tpu.memref_slice %arg4[%add3A_32] : memref<1050624xf32, #tpu.memory_space<vmem_shared>> -> memref<4096xf32, #tpu.memory_space<vmem_shared>>
    %dma_start3A_34 = tpu.memref_slice %arg4[%add3A_32] : memref<1050624xf32, #tpu.memory_space<vmem_shared>> -> memref<4096xf32, #tpu.memory_space<vmem_shared>>
    tpu.enqueue_dma source(%arg9 : memref<4096xf32, #tpu.memory_space<vmem>>) target(%dma_start3A_34 : memref<4096xf32, #tpu.memory_space<vmem_shared>>) target_semaphore(%arg15 : memref<!tpu.dma_semaphore, #tpu.memory_space<semaphore_mem>>)
    %add3A_35 = arith.constant 28672 : i32
    %add3A_36 = arith.addi %mul3A_8, %add3A_35 : i32
    %dma_start3A_37 = tpu.memref_slice %arg4[%add3A_36] : memref<1050624xf32, #tpu.memory_space<vmem_shared>> -> memref<4096xf32, #tpu.memory_space<vmem_shared>>
    %dma_start3A_38 = tpu.memref_slice %arg4[%add3A_36] : memref<1050624xf32, #tpu.memory_space<vmem_shared>> -> memref<4096xf32, #tpu.memory_space<vmem_shared>>
    tpu.enqueue_dma source(%arg9 : memref<4096xf32, #tpu.memory_space<vmem>>) target(%dma_start3A_38 : memref<4096xf32, #tpu.memory_space<vmem_shared>>) target_semaphore(%arg15 : memref<!tpu.dma_semaphore, #tpu.memory_space<semaphore_mem>>)
    %add3A_39 = arith.constant 32768 : i32
    %add3A_40 = arith.addi %mul3A_8, %add3A_39 : i32
    %dma_start3A_41 = tpu.memref_slice %arg4[%add3A_40] : memref<1050624xf32, #tpu.memory_space<vmem_shared>> -> memref<4096xf32, #tpu.memory_space<vmem_shared>>
    %dma_start3A_42 = tpu.memref_slice %arg4[%add3A_40] : memref<1050624xf32, #tpu.memory_space<vmem_shared>> -> memref<4096xf32, #tpu.memory_space<vmem_shared>>
    tpu.enqueue_dma source(%arg9 : memref<4096xf32, #tpu.memory_space<vmem>>) target(%dma_start3A_42 : memref<4096xf32, #tpu.memory_space<vmem_shared>>) target_semaphore(%arg15 : memref<!tpu.dma_semaphore, #tpu.memory_space<semaphore_mem>>)
    %add3A_43 = arith.constant 36864 : i32
    %add3A_44 = arith.addi %mul3A_8, %add3A_43 : i32
    %dma_start3A_45 = tpu.memref_slice %arg4[%add3A_44] : memref<1050624xf32, #tpu.memory_space<vmem_shared>> -> memref<4096xf32, #tpu.memory_space<vmem_shared>>
    %dma_start3A_46 = tpu.memref_slice %arg4[%add3A_44] : memref<1050624xf32, #tpu.memory_space<vmem_shared>> -> memref<4096xf32, #tpu.memory_space<vmem_shared>>
    tpu.enqueue_dma source(%arg9 : memref<4096xf32, #tpu.memory_space<vmem>>) target(%dma_start3A_46 : memref<4096xf32, #tpu.memory_space<vmem_shared>>) target_semaphore(%arg15 : memref<!tpu.dma_semaphore, #tpu.memory_space<semaphore_mem>>)
    %add3A_47 = arith.constant 40960 : i32
    %add3A_48 = arith.addi %mul3A_8, %add3A_47 : i32
    %dma_start3A_49 = tpu.memref_slice %arg4[%add3A_48] : memref<1050624xf32, #tpu.memory_space<vmem_shared>> -> memref<4096xf32, #tpu.memory_space<vmem_shared>>
    %dma_start3A_50 = tpu.memref_slice %arg4[%add3A_48] : memref<1050624xf32, #tpu.memory_space<vmem_shared>> -> memref<4096xf32, #tpu.memory_space<vmem_shared>>
    tpu.enqueue_dma source(%arg9 : memref<4096xf32, #tpu.memory_space<vmem>>) target(%dma_start3A_50 : memref<4096xf32, #tpu.memory_space<vmem_shared>>) target_semaphore(%arg15 : memref<!tpu.dma_semaphore, #tpu.memory_space<semaphore_mem>>)
    %add3A_51 = arith.constant 45056 : i32
    %add3A_52 = arith.addi %mul3A_8, %add3A_51 : i32
    %dma_start3A_53 = tpu.memref_slice %arg4[%add3A_52] : memref<1050624xf32, #tpu.memory_space<vmem_shared>> -> memref<4096xf32, #tpu.memory_space<vmem_shared>>
    %dma_start3A_54 = tpu.memref_slice %arg4[%add3A_52] : memref<1050624xf32, #tpu.memory_space<vmem_shared>> -> memref<4096xf32, #tpu.memory_space<vmem_shared>>
    tpu.enqueue_dma source(%arg9 : memref<4096xf32, #tpu.memory_space<vmem>>) target(%dma_start3A_54 : memref<4096xf32, #tpu.memory_space<vmem_shared>>) target_semaphore(%arg15 : memref<!tpu.dma_semaphore, #tpu.memory_space<semaphore_mem>>)
    %add3A_55 = arith.constant 49152 : i32
    %add3A_56 = arith.addi %mul3A_8, %add3A_55 : i32
    %dma_start3A_57 = tpu.memref_slice %arg4[%add3A_56] : memref<1050624xf32, #tpu.memory_space<vmem_shared>> -> memref<4096xf32, #tpu.memory_space<vmem_shared>>
    %dma_start3A_58 = tpu.memref_slice %arg4[%add3A_56] : memref<1050624xf32, #tpu.memory_space<vmem_shared>> -> memref<4096xf32, #tpu.memory_space<vmem_shared>>
    tpu.enqueue_dma source(%arg9 : memref<4096xf32, #tpu.memory_space<vmem>>) target(%dma_start3A_58 : memref<4096xf32, #tpu.memory_space<vmem_shared>>) target_semaphore(%arg15 : memref<!tpu.dma_semaphore, #tpu.memory_space<semaphore_mem>>)
    %add3A_59 = arith.constant 53248 : i32
    %add3A_60 = arith.addi %mul3A_8, %add3A_59 : i32
    %dma_start3A_61 = tpu.memref_slice %arg4[%add3A_60] : memref<1050624xf32, #tpu.memory_space<vmem_shared>> -> memref<4096xf32, #tpu.memory_space<vmem_shared>>
    %dma_start3A_62 = tpu.memref_slice %arg4[%add3A_60] : memref<1050624xf32, #tpu.memory_space<vmem_shared>> -> memref<4096xf32, #tpu.memory_space<vmem_shared>>
    tpu.enqueue_dma source(%arg9 : memref<4096xf32, #tpu.memory_space<vmem>>) target(%dma_start3A_62 : memref<4096xf32, #tpu.memory_space<vmem_shared>>) target_semaphore(%arg15 : memref<!tpu.dma_semaphore, #tpu.memory_space<semaphore_mem>>)
    %add3A_63 = arith.constant 57344 : i32
    %add3A_64 = arith.addi %mul3A_8, %add3A_63 : i32
    %dma_start3A_65 = tpu.memref_slice %arg4[%add3A_64] : memref<1050624xf32, #tpu.memory_space<vmem_shared>> -> memref<4096xf32, #tpu.memory_space<vmem_shared>>
    %dma_start3A_66 = tpu.memref_slice %arg4[%add3A_64] : memref<1050624xf32, #tpu.memory_space<vmem_shared>> -> memref<4096xf32, #tpu.memory_space<vmem_shared>>
    tpu.enqueue_dma source(%arg9 : memref<4096xf32, #tpu.memory_space<vmem>>) target(%dma_start3A_66 : memref<4096xf32, #tpu.memory_space<vmem_shared>>) target_semaphore(%arg15 : memref<!tpu.dma_semaphore, #tpu.memory_space<semaphore_mem>>)
    %add3A_67 = arith.constant 61440 : i32
    %add3A_68 = arith.addi %mul3A_8, %add3A_67 : i32
    %dma_start3A_69 = tpu.memref_slice %arg4[%add3A_68] : memref<1050624xf32, #tpu.memory_space<vmem_shared>> -> memref<4096xf32, #tpu.memory_space<vmem_shared>>
    %dma_start3A_70 = tpu.memref_slice %arg4[%add3A_68] : memref<1050624xf32, #tpu.memory_space<vmem_shared>> -> memref<4096xf32, #tpu.memory_space<vmem_shared>>
    tpu.enqueue_dma source(%arg9 : memref<4096xf32, #tpu.memory_space<vmem>>) target(%dma_start3A_70 : memref<4096xf32, #tpu.memory_space<vmem_shared>>) target_semaphore(%arg15 : memref<!tpu.dma_semaphore, #tpu.memory_space<semaphore_mem>>)
    %add3A_71 = arith.constant 65536 : i32
    %add3A_72 = arith.addi %mul3A_8, %add3A_71 : i32
    %dma_start3A_73 = arith.constant 0 : i32
    %dma_start3A_74 = tpu.memref_slice %arg9[%dma_start3A_73] : memref<4096xf32, #tpu.memory_space<vmem>> -> memref<128xf32, #tpu.memory_space<vmem>>
    %dma_start3A_75 = tpu.memref_slice %arg4[%add3A_72] : memref<1050624xf32, #tpu.memory_space<vmem_shared>> -> memref<128xf32, #tpu.memory_space<vmem_shared>>
    %dma_start3A_76 = tpu.memref_slice %arg4[%add3A_72] : memref<1050624xf32, #tpu.memory_space<vmem_shared>> -> memref<128xf32, #tpu.memory_space<vmem_shared>>
    %dma_start3A_77 = arith.constant 0 : i32
    %dma_start3A_78 = tpu.memref_slice %arg9[%dma_start3A_77] : memref<4096xf32, #tpu.memory_space<vmem>> -> memref<128xf32, #tpu.memory_space<vmem>>
    tpu.enqueue_dma source(%dma_start3A_78 : memref<128xf32, #tpu.memory_space<vmem>>) target(%dma_start3A_76 : memref<128xf32, #tpu.memory_space<vmem_shared>>) target_semaphore(%arg15 : memref<!tpu.dma_semaphore, #tpu.memory_space<semaphore_mem>>)
    %dma_wait3A = arith.constant 0 : i32
    %dma_wait3A_79 = tpu.memref_slice %arg4[%dma_wait3A] : memref<1050624xf32, #tpu.memory_space<vmem_shared>> -> memref<4096xf32, #tpu.memory_space<vmem_shared>>
    %dma_wait3A_80 = arith.constant 0 : i32
    %dma_wait3A_81 = tpu.memref_slice %arg4[%dma_wait3A_80] : memref<1050624xf32, #tpu.memory_space<vmem_shared>> -> memref<4096xf32, #tpu.memory_space<vmem_shared>>
    tpu.wait_dma2 semaphore(%arg15 : memref<!tpu.dma_semaphore, #tpu.memory_space<semaphore_mem>>) src(%arg9 : memref<4096xf32, #tpu.memory_space<vmem>>) dst(%dma_wait3A_81 : memref<4096xf32, #tpu.memory_space<vmem_shared>>)
    %dma_wait3A_82 = arith.constant 0 : i32
    %dma_wait3A_83 = tpu.memref_slice %arg4[%dma_wait3A_82] : memref<1050624xf32, #tpu.memory_space<vmem_shared>> -> memref<4096xf32, #tpu.memory_space<vmem_shared>>
    %dma_wait3A_84 = arith.constant 0 : i32
    %dma_wait3A_85 = tpu.memref_slice %arg4[%dma_wait3A_84] : memref<1050624xf32, #tpu.memory_space<vmem_shared>> -> memref<4096xf32, #tpu.memory_space<vmem_shared>>
    tpu.wait_dma2 semaphore(%arg15 : memref<!tpu.dma_semaphore, #tpu.memory_space<semaphore_mem>>) src(%arg9 : memref<4096xf32, #tpu.memory_space<vmem>>) dst(%dma_wait3A_85 : memref<4096xf32, #tpu.memory_space<vmem_shared>>)
    %dma_wait3A_86 = arith.constant 0 : i32
    %dma_wait3A_87 = tpu.memref_slice %arg4[%dma_wait3A_86] : memref<1050624xf32, #tpu.memory_space<vmem_shared>> -> memref<4096xf32, #tpu.memory_space<vmem_shared>>
    %dma_wait3A_88 = arith.constant 0 : i32
    %dma_wait3A_89 = tpu.memref_slice %arg4[%dma_wait3A_88] : memref<1050624xf32, #tpu.memory_space<vmem_shared>> -> memref<4096xf32, #tpu.memory_space<vmem_shared>>
    tpu.wait_dma2 semaphore(%arg15 : memref<!tpu.dma_semaphore, #tpu.memory_space<semaphore_mem>>) src(%arg9 : memref<4096xf32, #tpu.memory_space<vmem>>) dst(%dma_wait3A_89 : memref<4096xf32, #tpu.memory_space<vmem_shared>>)
    %dma_wait3A_90 = arith.constant 0 : i32
    %dma_wait3A_91 = tpu.memref_slice %arg4[%dma_wait3A_90] : memref<1050624xf32, #tpu.memory_space<vmem_shared>> -> memref<4096xf32, #tpu.memory_space<vmem_shared>>
    %dma_wait3A_92 = arith.constant 0 : i32
    %dma_wait3A_93 = tpu.memref_slice %arg4[%dma_wait3A_92] : memref<1050624xf32, #tpu.memory_space<vmem_shared>> -> memref<4096xf32, #tpu.memory_space<vmem_shared>>
    tpu.wait_dma2 semaphore(%arg15 : memref<!tpu.dma_semaphore, #tpu.memory_space<semaphore_mem>>) src(%arg9 : memref<4096xf32, #tpu.memory_space<vmem>>) dst(%dma_wait3A_93 : memref<4096xf32, #tpu.memory_space<vmem_shared>>)
    %dma_wait3A_94 = arith.constant 0 : i32
    %dma_wait3A_95 = tpu.memref_slice %arg4[%dma_wait3A_94] : memref<1050624xf32, #tpu.memory_space<vmem_shared>> -> memref<4096xf32, #tpu.memory_space<vmem_shared>>
    %dma_wait3A_96 = arith.constant 0 : i32
    %dma_wait3A_97 = tpu.memref_slice %arg4[%dma_wait3A_96] : memref<1050624xf32, #tpu.memory_space<vmem_shared>> -> memref<4096xf32, #tpu.memory_space<vmem_shared>>
    tpu.wait_dma2 semaphore(%arg15 : memref<!tpu.dma_semaphore, #tpu.memory_space<semaphore_mem>>) src(%arg9 : memref<4096xf32, #tpu.memory_space<vmem>>) dst(%dma_wait3A_97 : memref<4096xf32, #tpu.memory_space<vmem_shared>>)
    %dma_wait3A_98 = arith.constant 0 : i32
    %dma_wait3A_99 = tpu.memref_slice %arg4[%dma_wait3A_98] : memref<1050624xf32, #tpu.memory_space<vmem_shared>> -> memref<4096xf32, #tpu.memory_space<vmem_shared>>
    %dma_wait3A_100 = arith.constant 0 : i32
    %dma_wait3A_101 = tpu.memref_slice %arg4[%dma_wait3A_100] : memref<1050624xf32, #tpu.memory_space<vmem_shared>> -> memref<4096xf32, #tpu.memory_space<vmem_shared>>
    tpu.wait_dma2 semaphore(%arg15 : memref<!tpu.dma_semaphore, #tpu.memory_space<semaphore_mem>>) src(%arg9 : memref<4096xf32, #tpu.memory_space<vmem>>) dst(%dma_wait3A_101 : memref<4096xf32, #tpu.memory_space<vmem_shared>>)
    %dma_wait3A_102 = arith.constant 0 : i32
    %dma_wait3A_103 = tpu.memref_slice %arg4[%dma_wait3A_102] : memref<1050624xf32, #tpu.memory_space<vmem_shared>> -> memref<4096xf32, #tpu.memory_space<vmem_shared>>
    %dma_wait3A_104 = arith.constant 0 : i32
    %dma_wait3A_105 = tpu.memref_slice %arg4[%dma_wait3A_104] : memref<1050624xf32, #tpu.memory_space<vmem_shared>> -> memref<4096xf32, #tpu.memory_space<vmem_shared>>
    tpu.wait_dma2 semaphore(%arg15 : memref<!tpu.dma_semaphore, #tpu.memory_space<semaphore_mem>>) src(%arg9 : memref<4096xf32, #tpu.memory_space<vmem>>) dst(%dma_wait3A_105 : memref<4096xf32, #tpu.memory_space<vmem_shared>>)
    %dma_wait3A_106 = arith.constant 0 : i32
    %dma_wait3A_107 = tpu.memref_slice %arg4[%dma_wait3A_106] : memref<1050624xf32, #tpu.memory_space<vmem_shared>> -> memref<4096xf32, #tpu.memory_space<vmem_shared>>
    %dma_wait3A_108 = arith.constant 0 : i32
    %dma_wait3A_109 = tpu.memref_slice %arg4[%dma_wait3A_108] : memref<1050624xf32, #tpu.memory_space<vmem_shared>> -> memref<4096xf32, #tpu.memory_space<vmem_shared>>
    tpu.wait_dma2 semaphore(%arg15 : memref<!tpu.dma_semaphore, #tpu.memory_space<semaphore_mem>>) src(%arg9 : memref<4096xf32, #tpu.memory_space<vmem>>) dst(%dma_wait3A_109 : memref<4096xf32, #tpu.memory_space<vmem_shared>>)
    %dma_wait3A_110 = arith.constant 0 : i32
    %dma_wait3A_111 = tpu.memref_slice %arg4[%dma_wait3A_110] : memref<1050624xf32, #tpu.memory_space<vmem_shared>> -> memref<4096xf32, #tpu.memory_space<vmem_shared>>
    %dma_wait3A_112 = arith.constant 0 : i32
    %dma_wait3A_113 = tpu.memref_slice %arg4[%dma_wait3A_112] : memref<1050624xf32, #tpu.memory_space<vmem_shared>> -> memref<4096xf32, #tpu.memory_space<vmem_shared>>
    tpu.wait_dma2 semaphore(%arg15 : memref<!tpu.dma_semaphore, #tpu.memory_space<semaphore_mem>>) src(%arg9 : memref<4096xf32, #tpu.memory_space<vmem>>) dst(%dma_wait3A_113 : memref<4096xf32, #tpu.memory_space<vmem_shared>>)
    %dma_wait3A_114 = arith.constant 0 : i32
    %dma_wait3A_115 = tpu.memref_slice %arg4[%dma_wait3A_114] : memref<1050624xf32, #tpu.memory_space<vmem_shared>> -> memref<4096xf32, #tpu.memory_space<vmem_shared>>
    %dma_wait3A_116 = arith.constant 0 : i32
    %dma_wait3A_117 = tpu.memref_slice %arg4[%dma_wait3A_116] : memref<1050624xf32, #tpu.memory_space<vmem_shared>> -> memref<4096xf32, #tpu.memory_space<vmem_shared>>
    tpu.wait_dma2 semaphore(%arg15 : memref<!tpu.dma_semaphore, #tpu.memory_space<semaphore_mem>>) src(%arg9 : memref<4096xf32, #tpu.memory_space<vmem>>) dst(%dma_wait3A_117 : memref<4096xf32, #tpu.memory_space<vmem_shared>>)
    %dma_wait3A_118 = arith.constant 0 : i32
    %dma_wait3A_119 = tpu.memref_slice %arg4[%dma_wait3A_118] : memref<1050624xf32, #tpu.memory_space<vmem_shared>> -> memref<4096xf32, #tpu.memory_space<vmem_shared>>
    %dma_wait3A_120 = arith.constant 0 : i32
    %dma_wait3A_121 = tpu.memref_slice %arg4[%dma_wait3A_120] : memref<1050624xf32, #tpu.memory_space<vmem_shared>> -> memref<4096xf32, #tpu.memory_space<vmem_shared>>
    tpu.wait_dma2 semaphore(%arg15 : memref<!tpu.dma_semaphore, #tpu.memory_space<semaphore_mem>>) src(%arg9 : memref<4096xf32, #tpu.memory_space<vmem>>) dst(%dma_wait3A_121 : memref<4096xf32, #tpu.memory_space<vmem_shared>>)
    %dma_wait3A_122 = arith.constant 0 : i32
    %dma_wait3A_123 = tpu.memref_slice %arg4[%dma_wait3A_122] : memref<1050624xf32, #tpu.memory_space<vmem_shared>> -> memref<4096xf32, #tpu.memory_space<vmem_shared>>
    %dma_wait3A_124 = arith.constant 0 : i32
    %dma_wait3A_125 = tpu.memref_slice %arg4[%dma_wait3A_124] : memref<1050624xf32, #tpu.memory_space<vmem_shared>> -> memref<4096xf32, #tpu.memory_space<vmem_shared>>
    tpu.wait_dma2 semaphore(%arg15 : memref<!tpu.dma_semaphore, #tpu.memory_space<semaphore_mem>>) src(%arg9 : memref<4096xf32, #tpu.memory_space<vmem>>) dst(%dma_wait3A_125 : memref<4096xf32, #tpu.memory_space<vmem_shared>>)
    %dma_wait3A_126 = arith.constant 0 : i32
    %dma_wait3A_127 = tpu.memref_slice %arg4[%dma_wait3A_126] : memref<1050624xf32, #tpu.memory_space<vmem_shared>> -> memref<4096xf32, #tpu.memory_space<vmem_shared>>
    %dma_wait3A_128 = arith.constant 0 : i32
    %dma_wait3A_129 = tpu.memref_slice %arg4[%dma_wait3A_128] : memref<1050624xf32, #tpu.memory_space<vmem_shared>> -> memref<4096xf32, #tpu.memory_space<vmem_shared>>
    tpu.wait_dma2 semaphore(%arg15 : memref<!tpu.dma_semaphore, #tpu.memory_space<semaphore_mem>>) src(%arg9 : memref<4096xf32, #tpu.memory_space<vmem>>) dst(%dma_wait3A_129 : memref<4096xf32, #tpu.memory_space<vmem_shared>>)
    %dma_wait3A_130 = arith.constant 0 : i32
    %dma_wait3A_131 = tpu.memref_slice %arg4[%dma_wait3A_130] : memref<1050624xf32, #tpu.memory_space<vmem_shared>> -> memref<4096xf32, #tpu.memory_space<vmem_shared>>
    %dma_wait3A_132 = arith.constant 0 : i32
    %dma_wait3A_133 = tpu.memref_slice %arg4[%dma_wait3A_132] : memref<1050624xf32, #tpu.memory_space<vmem_shared>> -> memref<4096xf32, #tpu.memory_space<vmem_shared>>
    tpu.wait_dma2 semaphore(%arg15 : memref<!tpu.dma_semaphore, #tpu.memory_space<semaphore_mem>>) src(%arg9 : memref<4096xf32, #tpu.memory_space<vmem>>) dst(%dma_wait3A_133 : memref<4096xf32, #tpu.memory_space<vmem_shared>>)
    %dma_wait3A_134 = arith.constant 0 : i32
    %dma_wait3A_135 = tpu.memref_slice %arg4[%dma_wait3A_134] : memref<1050624xf32, #tpu.memory_space<vmem_shared>> -> memref<4096xf32, #tpu.memory_space<vmem_shared>>
    %dma_wait3A_136 = arith.constant 0 : i32
    %dma_wait3A_137 = tpu.memref_slice %arg4[%dma_wait3A_136] : memref<1050624xf32, #tpu.memory_space<vmem_shared>> -> memref<4096xf32, #tpu.memory_space<vmem_shared>>
    tpu.wait_dma2 semaphore(%arg15 : memref<!tpu.dma_semaphore, #tpu.memory_space<semaphore_mem>>) src(%arg9 : memref<4096xf32, #tpu.memory_space<vmem>>) dst(%dma_wait3A_137 : memref<4096xf32, #tpu.memory_space<vmem_shared>>)
    %dma_wait3A_138 = arith.constant 0 : i32
    %dma_wait3A_139 = tpu.memref_slice %arg4[%dma_wait3A_138] : memref<1050624xf32, #tpu.memory_space<vmem_shared>> -> memref<4096xf32, #tpu.memory_space<vmem_shared>>
    %dma_wait3A_140 = arith.constant 0 : i32
    %dma_wait3A_141 = tpu.memref_slice %arg4[%dma_wait3A_140] : memref<1050624xf32, #tpu.memory_space<vmem_shared>> -> memref<4096xf32, #tpu.memory_space<vmem_shared>>
    tpu.wait_dma2 semaphore(%arg15 : memref<!tpu.dma_semaphore, #tpu.memory_space<semaphore_mem>>) src(%arg9 : memref<4096xf32, #tpu.memory_space<vmem>>) dst(%dma_wait3A_141 : memref<4096xf32, #tpu.memory_space<vmem_shared>>)
    %dma_wait3A_142 = arith.constant 0 : i32
    %dma_wait3A_143 = tpu.memref_slice %arg9[%dma_wait3A_142] : memref<4096xf32, #tpu.memory_space<vmem>> -> memref<128xf32, #tpu.memory_space<vmem>>
    %dma_wait3A_144 = arith.constant 0 : i32
    %dma_wait3A_145 = tpu.memref_slice %arg4[%dma_wait3A_144] : memref<1050624xf32, #tpu.memory_space<vmem_shared>> -> memref<128xf32, #tpu.memory_space<vmem_shared>>
    %dma_wait3A_146 = arith.constant 0 : i32
    %dma_wait3A_147 = tpu.memref_slice %arg4[%dma_wait3A_146] : memref<1050624xf32, #tpu.memory_space<vmem_shared>> -> memref<128xf32, #tpu.memory_space<vmem_shared>>
    %dma_wait3A_148 = arith.constant 0 : i32
    %dma_wait3A_149 = tpu.memref_slice %arg9[%dma_wait3A_148] : memref<4096xf32, #tpu.memory_space<vmem>> -> memref<128xf32, #tpu.memory_space<vmem>>
    tpu.wait_dma2 semaphore(%arg15 : memref<!tpu.dma_semaphore, #tpu.memory_space<semaphore_mem>>) src(%dma_wait3A_149 : memref<128xf32, #tpu.memory_space<vmem>>) dst(%dma_wait3A_147 : memref<128xf32, #tpu.memory_space<vmem_shared>>)
    %barrier3A = arith.constant 0 : index
    tpu.barrier barrier_id(%barrier3A)
    %mul3A_150 = arith.constant 128 : i32
    %mul3A_151 = arith.muli %arg1, %mul3A_150 : i32
    %add3A_152 = arith.constant 1048576 : i32
    %add3A_153 = arith.addi %add3A_152, %mul3A_151 : i32
    %mul3A_154 = arith.constant 262144 : i32
    %mul3A_155 = arith.muli %arg1, %mul3A_154 : i32
    %add3A_156 = arith.constant 0 : i32
    %add3A_157 = arith.addi %mul3A_155, %add3A_156 : i32
    %dma_start3A_158 = tpu.memref_slice %arg2[%add3A_157] : memref<4194304xi32, #tpu.memory_space<hbm>> -> memref<4096xi32, #tpu.memory_space<hbm>>
    %dma_start3A_159 = tpu.memref_slice %arg2[%add3A_157] : memref<4194304xi32, #tpu.memory_space<hbm>> -> memref<4096xi32, #tpu.memory_space<hbm>>
    tpu.enqueue_dma source(%dma_start3A_159 : memref<4096xi32, #tpu.memory_space<hbm>>) target(%arg5 : memref<4096xi32, #tpu.memory_space<vmem>>) target_semaphore(%arg11 : memref<!tpu.dma_semaphore, #tpu.memory_space<semaphore_mem>>)
    %mul3A_160 = arith.constant 262144 : i32
    %mul3A_161 = arith.muli %arg1, %mul3A_160 : i32
    %add3A_162 = arith.constant 4096 : i32
    %add3A_163 = arith.addi %mul3A_161, %add3A_162 : i32
    %dma_start3A_164 = tpu.memref_slice %arg2[%add3A_163] : memref<4194304xi32, #tpu.memory_space<hbm>> -> memref<4096xi32, #tpu.memory_space<hbm>>
    %dma_start3A_165 = tpu.memref_slice %arg2[%add3A_163] : memref<4194304xi32, #tpu.memory_space<hbm>> -> memref<4096xi32, #tpu.memory_space<hbm>>
    tpu.enqueue_dma source(%dma_start3A_165 : memref<4096xi32, #tpu.memory_space<hbm>>) target(%arg6 : memref<4096xi32, #tpu.memory_space<vmem>>) target_semaphore(%arg12 : memref<!tpu.dma_semaphore, #tpu.memory_space<semaphore_mem>>)
    %scan3A_166 = arith.constant 0 : i32
    %scan3A_167 = arith.constant 0 : i32
    %scan3A_168 = arith.constant 32 : i32
    %scan3A_169 = arith.addi %scan3A_167, %scan3A_168 : i32
    %scan3A_170 = arith.constant 1 : i32
    %scan3A_171 = scf.for %scan3A_185 = %scan3A_167 to %scan3A_169 step %scan3A_170 iter_args(%scan3A_186 = %scan3A_166) -> (i32)  : i32 {
      %mul3A_187 = arith.constant 2 : i32
      %mul3A_188 = arith.muli %scan3A_185, %mul3A_187 : i32
      %add3A_189 = arith.constant 0 : i32
      %add3A_190 = arith.addi %mul3A_188, %add3A_189 : i32
      %dma_wait3A_191 = arith.constant 0 : i32
      %dma_wait3A_192 = tpu.memref_slice %arg2[%dma_wait3A_191] : memref<4194304xi32, #tpu.memory_space<hbm>> -> memref<4096xi32, #tpu.memory_space<hbm>>
      %dma_wait3A_193 = arith.constant 0 : i32
      %dma_wait3A_194 = tpu.memref_slice %arg2[%dma_wait3A_193] : memref<4194304xi32, #tpu.memory_space<hbm>> -> memref<4096xi32, #tpu.memory_space<hbm>>
      tpu.wait_dma2 semaphore(%arg11 : memref<!tpu.dma_semaphore, #tpu.memory_space<semaphore_mem>>) src(%dma_wait3A_194 : memref<4096xi32, #tpu.memory_space<hbm>>) dst(%arg5 : memref<4096xi32, #tpu.memory_space<vmem>>)
      %ge3A = arith.constant 2 : i32
      %ge3A_195 = arith.cmpi sge, %add3A_190, %ge3A : i32
      %convert_element_type3A = arith.extui %ge3A_195 : i1 to i32
      %cond3A = arith.constant 0 : i32
      %cond3A_196 = arith.cmpi ne, %convert_element_type3A, %cond3A : i32
      scf.if %cond3A_196 {
        %dma_wait3A_242 = arith.constant 0 : i32
        %dma_wait3A_243 = tpu.memref_slice %arg4[%dma_wait3A_242] : memref<1050624xf32, #tpu.memory_space<vmem_shared>> -> memref<1050624xf32, #tpu.memory_space<vmem_shared>>
        tpu.wait_indirect_dma semaphore(%arg13 : memref<!tpu.dma_semaphore, #tpu.memory_space<semaphore_mem>>) src(%arg9 : memref<4096xf32, #tpu.memory_space<vmem>>) dst(%dma_wait3A_243 : memref<1050624xf32, #tpu.memory_space<vmem_shared>>)
      } else {
      }
      %scan3A_197 = arith.constant 0 : i32
      %scan3A_198 = arith.constant 0 : i32
      %scan3A_199 = arith.constant 256 : i32
      %scan3A_200 = arith.addi %scan3A_198, %scan3A_199 : i32
      %scan3A_201 = arith.constant 1 : i32
      %scan3A_202 = scf.for %scan3A_242 = %scan3A_198 to %scan3A_200 step %scan3A_201 iter_args(%scan3A_243 = %scan3A_197) -> (i32)  : i32 {
        %mul3A_244 = arith.constant 16 : i32
        %mul3A_245 = arith.muli %scan3A_242, %mul3A_244 : i32
        %get3A = arith.index_cast %mul3A_245 : i32 to index
        %get3A_246 = tpu.vector_load %arg5[%get3A] {strides = array<i32>} : memref<4096xi32, #tpu.memory_space<vmem>>, vector<16xi32>,
        %get3A_247 = vector.shape_cast %get3A_246 : vector<16xi32> to vector<16xi32>
        %sub3A = vector.broadcast %mul3A_0 : i32 to vector<16xi32>
        %sub3A_248 = arith.subi %get3A_247, %sub3A : vector<16xi32>
        %ge3A_249 = arith.constant 0 : i32
        %ge3A_250 = vector.broadcast %ge3A_249 : i32 to vector<16xi32>
        %ge3A_251 = arith.cmpi sge, %sub3A_248, %ge3A_250 : vector<16xi32>
        %lt3A_252 = arith.constant 2097152 : i32
        %lt3A_253 = vector.broadcast %lt3A_252 : i32 to vector<16xi32>
        %lt3A_254 = arith.cmpi slt, %sub3A_248, %lt3A_253 : vector<16xi32>
        %and3A = arith.andi %ge3A_251, %lt3A_254 : vector<16xi1>
        %and3A_255 = arith.constant 1048575 : i32
        %and3A_256 = vector.broadcast %and3A_255 : i32 to vector<16xi32>
        %and3A_257 = arith.andi %sub3A_248, %and3A_256 : vector<16xi32>
        %mul3A_258 = arith.constant 16 : i32
        %mul3A_259 = arith.muli %scan3A_242, %mul3A_258 : i32
        %add3A_260 = vector.broadcast %mul3A_259 : i32 to vector<16xi32>
        %add3A_261 = arith.addi %add3A_260, %iota3A : vector<16xi32>
        %and3A_262 = arith.constant 127 : i32
        %and3A_263 = vector.broadcast %and3A_262 : i32 to vector<16xi32>
        %and3A_264 = arith.andi %add3A_261, %and3A_263 : vector<16xi32>
        %add3A_265 = vector.broadcast %add3A_153 : i32 to vector<16xi32>
        %add3A_266 = arith.addi %add3A_265, %and3A_264 : vector<16xi32>
        %select_n3A = arith.select %and3A, %and3A_257, %add3A_266 : vector<16xi1>, vector<16xi32>
        %mul3A_267 = arith.constant 16 : i32
        %mul3A_268 = arith.muli %scan3A_242, %mul3A_267 : i32
        %swap3A = arith.index_cast %mul3A_268 : i32 to index
        %swap3A_269 = tpu.vector_load %arg7[%swap3A] {strides = array<i32>} : memref<4096xi32, #tpu.memory_space<vmem>>, vector<16xi32>,
        %swap3A_270 = vector.shape_cast %swap3A_269 : vector<16xi32> to vector<16xi32>
        %swap3A_271 = vector.shape_cast %select_n3A : vector<16xi32> to vector<16xi32>
        tpu.vector_store %arg7[%swap3A], %swap3A_271 {strides = array<i32>} : memref<4096xi32, #tpu.memory_space<vmem>>, vector<16xi32>,
        %ge3A_272 = arith.constant 1048576 : i32
        %ge3A_273 = vector.broadcast %ge3A_272 : i32 to vector<16xi32>
        %ge3A_274 = arith.cmpi sge, %sub3A_248, %ge3A_273 : vector<16xi32>
        %jit3A = arith.constant 4.096000e+03 : f32
        %jit3A_275 = arith.constant 1.000000e+00 : f32
        %broadcast_in_dim3A = vector.broadcast %jit3A : f32 to vector<16xf32>
        %broadcast_in_dim3A_276 = vector.broadcast %jit3A_275 : f32 to vector<16xf32>
        %select_n3A_277 = arith.select %ge3A_274, %broadcast_in_dim3A, %broadcast_in_dim3A_276 : vector<16xi1>, vector<16xf32>
        %jit3A_278 = arith.constant 0.000000e+00 : f32
        %broadcast_in_dim3A_279 = vector.broadcast %jit3A_278 : f32 to vector<16xf32>
        %select_n3A_280 = arith.select %and3A, %select_n3A_277, %broadcast_in_dim3A_279 : vector<16xi1>, vector<16xf32>
        %mul3A_281 = arith.constant 16 : i32
        %mul3A_282 = arith.muli %scan3A_242, %mul3A_281 : i32
        %swap3A_283 = arith.index_cast %mul3A_282 : i32 to index
        %swap3A_284 = tpu.vector_load %arg9[%swap3A_283] {strides = array<i32>} : memref<4096xf32, #tpu.memory_space<vmem>>, vector<16xf32>,
        %swap3A_285 = vector.shape_cast %swap3A_284 : vector<16xf32> to vector<16xf32>
        %swap3A_286 = vector.shape_cast %select_n3A_280 : vector<16xf32> to vector<16xf32>
        tpu.vector_store %arg9[%swap3A_283], %swap3A_286 {strides = array<i32>} : memref<4096xf32, #tpu.memory_space<vmem>>, vector<16xf32>,
        %scan3A_287 = arith.constant 0 : i32
        scf.yield %scan3A_287 : i32
      }
      %scan3A_203 = arith.constant 256 : i32
      %dma_start3A_204 = arith.constant 0 : i32
      %dma_start3A_205 = tpu.memref_slice %arg4[%dma_start3A_204] : memref<1050624xf32, #tpu.memory_space<vmem_shared>> -> memref<1050624xf32, #tpu.memory_space<vmem_shared>>
      tpu.enqueue_indirect_dma source(%arg9 : memref<4096xf32, #tpu.memory_space<vmem>>) target(%dma_start3A_205 : memref<1050624xf32, #tpu.memory_space<vmem_shared>>) offsets(%arg7 : memref<4096xi32, #tpu.memory_space<vmem>>) semaphore(%arg13 : memref<!tpu.dma_semaphore, #tpu.memory_space<semaphore_mem>>) {add = true}
      %add3A_206 = arith.constant 2 : i32
      %add3A_207 = arith.addi %add3A_190, %add3A_206 : i32
      %lt3A = arith.constant 64 : i32
      %lt3A_208 = arith.cmpi slt, %add3A_207, %lt3A : i32
      %convert_element_type3A_209 = arith.extui %lt3A_208 : i1 to i32
      %cond3A_210 = arith.constant 0 : i32
      %cond3A_211 = arith.cmpi ne, %convert_element_type3A_209, %cond3A_210 : i32
      scf.if %cond3A_211 {
        %add3A_242 = arith.constant 2 : i32
        %add3A_243 = arith.addi %add3A_190, %add3A_242 : i32
        %mul3A_244 = arith.constant 262144 : i32
        %mul3A_245 = arith.muli %arg1, %mul3A_244 : i32
        %mul3A_246 = arith.constant 4096 : i32
        %mul3A_247 = arith.muli %add3A_243, %mul3A_246 : i32
        %add3A_248 = arith.addi %mul3A_245, %mul3A_247 : i32
        %dma_start3A_249 = tpu.memref_slice %arg2[%add3A_248] : memref<4194304xi32, #tpu.memory_space<hbm>> -> memref<4096xi32, #tpu.memory_space<hbm>>
        %dma_start3A_250 = tpu.memref_slice %arg2[%add3A_248] : memref<4194304xi32, #tpu.memory_space<hbm>> -> memref<4096xi32, #tpu.memory_space<hbm>>
        tpu.enqueue_dma source(%dma_start3A_250 : memref<4096xi32, #tpu.memory_space<hbm>>) target(%arg5 : memref<4096xi32, #tpu.memory_space<vmem>>) target_semaphore(%arg11 : memref<!tpu.dma_semaphore, #tpu.memory_space<semaphore_mem>>)
      } else {
      }
      %mul3A_212 = arith.constant 2 : i32
      %mul3A_213 = arith.muli %scan3A_185, %mul3A_212 : i32
      %add3A_214 = arith.constant 1 : i32
      %add3A_215 = arith.addi %mul3A_213, %add3A_214 : i32
      %dma_wait3A_216 = arith.constant 0 : i32
      %dma_wait3A_217 = tpu.memref_slice %arg2[%dma_wait3A_216] : memref<4194304xi32, #tpu.memory_space<hbm>> -> memref<4096xi32, #tpu.memory_space<hbm>>
      %dma_wait3A_218 = arith.constant 0 : i32
      %dma_wait3A_219 = tpu.memref_slice %arg2[%dma_wait3A_218] : memref<4194304xi32, #tpu.memory_space<hbm>> -> memref<4096xi32, #tpu.memory_space<hbm>>
      tpu.wait_dma2 semaphore(%arg12 : memref<!tpu.dma_semaphore, #tpu.memory_space<semaphore_mem>>) src(%dma_wait3A_219 : memref<4096xi32, #tpu.memory_space<hbm>>) dst(%arg6 : memref<4096xi32, #tpu.memory_space<vmem>>)
      %ge3A_220 = arith.constant 2 : i32
      %ge3A_221 = arith.cmpi sge, %add3A_215, %ge3A_220 : i32
      %convert_element_type3A_222 = arith.extui %ge3A_221 : i1 to i32
      %cond3A_223 = arith.constant 0 : i32
      %cond3A_224 = arith.cmpi ne, %convert_element_type3A_222, %cond3A_223 : i32
      scf.if %cond3A_224 {
        %dma_wait3A_242 = arith.constant 0 : i32
        %dma_wait3A_243 = tpu.memref_slice %arg4[%dma_wait3A_242] : memref<1050624xf32, #tpu.memory_space<vmem_shared>> -> memref<1050624xf32, #tpu.memory_space<vmem_shared>>
        tpu.wait_indirect_dma semaphore(%arg14 : memref<!tpu.dma_semaphore, #tpu.memory_space<semaphore_mem>>) src(%arg10 : memref<4096xf32, #tpu.memory_space<vmem>>) dst(%dma_wait3A_243 : memref<1050624xf32, #tpu.memory_space<vmem_shared>>)
      } else {
      }
      %scan3A_225 = arith.constant 0 : i32
      %scan3A_226 = arith.constant 0 : i32
      %scan3A_227 = arith.constant 256 : i32
      %scan3A_228 = arith.addi %scan3A_226, %scan3A_227 : i32
      %scan3A_229 = arith.constant 1 : i32
      %scan3A_230 = scf.for %scan3A_242 = %scan3A_226 to %scan3A_228 step %scan3A_229 iter_args(%scan3A_243 = %scan3A_225) -> (i32)  : i32 {
        %mul3A_244 = arith.constant 16 : i32
        %mul3A_245 = arith.muli %scan3A_242, %mul3A_244 : i32
        %get3A = arith.index_cast %mul3A_245 : i32 to index
        %get3A_246 = tpu.vector_load %arg6[%get3A] {strides = array<i32>} : memref<4096xi32, #tpu.memory_space<vmem>>, vector<16xi32>,
        %get3A_247 = vector.shape_cast %get3A_246 : vector<16xi32> to vector<16xi32>
        %sub3A = vector.broadcast %mul3A_0 : i32 to vector<16xi32>
        %sub3A_248 = arith.subi %get3A_247, %sub3A : vector<16xi32>
        %ge3A_249 = arith.constant 0 : i32
        %ge3A_250 = vector.broadcast %ge3A_249 : i32 to vector<16xi32>
        %ge3A_251 = arith.cmpi sge, %sub3A_248, %ge3A_250 : vector<16xi32>
        %lt3A_252 = arith.constant 2097152 : i32
        %lt3A_253 = vector.broadcast %lt3A_252 : i32 to vector<16xi32>
        %lt3A_254 = arith.cmpi slt, %sub3A_248, %lt3A_253 : vector<16xi32>
        %and3A = arith.andi %ge3A_251, %lt3A_254 : vector<16xi1>
        %and3A_255 = arith.constant 1048575 : i32
        %and3A_256 = vector.broadcast %and3A_255 : i32 to vector<16xi32>
        %and3A_257 = arith.andi %sub3A_248, %and3A_256 : vector<16xi32>
        %mul3A_258 = arith.constant 16 : i32
        %mul3A_259 = arith.muli %scan3A_242, %mul3A_258 : i32
        %add3A_260 = vector.broadcast %mul3A_259 : i32 to vector<16xi32>
        %add3A_261 = arith.addi %add3A_260, %iota3A : vector<16xi32>
        %and3A_262 = arith.constant 127 : i32
        %and3A_263 = vector.broadcast %and3A_262 : i32 to vector<16xi32>
        %and3A_264 = arith.andi %add3A_261, %and3A_263 : vector<16xi32>
        %add3A_265 = vector.broadcast %add3A_153 : i32 to vector<16xi32>
        %add3A_266 = arith.addi %add3A_265, %and3A_264 : vector<16xi32>
        %select_n3A = arith.select %and3A, %and3A_257, %add3A_266 : vector<16xi1>, vector<16xi32>
        %mul3A_267 = arith.constant 16 : i32
        %mul3A_268 = arith.muli %scan3A_242, %mul3A_267 : i32
        %swap3A = arith.index_cast %mul3A_268 : i32 to index
        %swap3A_269 = tpu.vector_load %arg8[%swap3A] {strides = array<i32>} : memref<4096xi32, #tpu.memory_space<vmem>>, vector<16xi32>,
        %swap3A_270 = vector.shape_cast %swap3A_269 : vector<16xi32> to vector<16xi32>
        %swap3A_271 = vector.shape_cast %select_n3A : vector<16xi32> to vector<16xi32>
        tpu.vector_store %arg8[%swap3A], %swap3A_271 {strides = array<i32>} : memref<4096xi32, #tpu.memory_space<vmem>>, vector<16xi32>,
        %ge3A_272 = arith.constant 1048576 : i32
        %ge3A_273 = vector.broadcast %ge3A_272 : i32 to vector<16xi32>
        %ge3A_274 = arith.cmpi sge, %sub3A_248, %ge3A_273 : vector<16xi32>
        %jit3A = arith.constant 4.096000e+03 : f32
        %jit3A_275 = arith.constant 1.000000e+00 : f32
        %broadcast_in_dim3A = vector.broadcast %jit3A : f32 to vector<16xf32>
        %broadcast_in_dim3A_276 = vector.broadcast %jit3A_275 : f32 to vector<16xf32>
        %select_n3A_277 = arith.select %ge3A_274, %broadcast_in_dim3A, %broadcast_in_dim3A_276 : vector<16xi1>, vector<16xf32>
        %jit3A_278 = arith.constant 0.000000e+00 : f32
        %broadcast_in_dim3A_279 = vector.broadcast %jit3A_278 : f32 to vector<16xf32>
        %select_n3A_280 = arith.select %and3A, %select_n3A_277, %broadcast_in_dim3A_279 : vector<16xi1>, vector<16xf32>
        %mul3A_281 = arith.constant 16 : i32
        %mul3A_282 = arith.muli %scan3A_242, %mul3A_281 : i32
        %swap3A_283 = arith.index_cast %mul3A_282 : i32 to index
        %swap3A_284 = tpu.vector_load %arg10[%swap3A_283] {strides = array<i32>} : memref<4096xf32, #tpu.memory_space<vmem>>, vector<16xf32>,
        %swap3A_285 = vector.shape_cast %swap3A_284 : vector<16xf32> to vector<16xf32>
        %swap3A_286 = vector.shape_cast %select_n3A_280 : vector<16xf32> to vector<16xf32>
        tpu.vector_store %arg10[%swap3A_283], %swap3A_286 {strides = array<i32>} : memref<4096xf32, #tpu.memory_space<vmem>>, vector<16xf32>,
        %scan3A_287 = arith.constant 0 : i32
        scf.yield %scan3A_287 : i32
      }
      %scan3A_231 = arith.constant 256 : i32
      %dma_start3A_232 = arith.constant 0 : i32
      %dma_start3A_233 = tpu.memref_slice %arg4[%dma_start3A_232] : memref<1050624xf32, #tpu.memory_space<vmem_shared>> -> memref<1050624xf32, #tpu.memory_space<vmem_shared>>
      tpu.enqueue_indirect_dma source(%arg10 : memref<4096xf32, #tpu.memory_space<vmem>>) target(%dma_start3A_233 : memref<1050624xf32, #tpu.memory_space<vmem_shared>>) offsets(%arg8 : memref<4096xi32, #tpu.memory_space<vmem>>) semaphore(%arg14 : memref<!tpu.dma_semaphore, #tpu.memory_space<semaphore_mem>>) {add = true}
      %add3A_234 = arith.constant 2 : i32
      %add3A_235 = arith.addi %add3A_215, %add3A_234 : i32
      %lt3A_236 = arith.constant 64 : i32
      %lt3A_237 = arith.cmpi slt, %add3A_235, %lt3A_236 : i32
      %convert_element_type3A_238 = arith.extui %lt3A_237 : i1 to i32
      %cond3A_239 = arith.constant 0 : i32
      %cond3A_240 = arith.cmpi ne, %convert_element_type3A_238, %cond3A_239 : i32
      scf.if %cond3A_240 {
        %add3A_242 = arith.constant 2 : i32
        %add3A_243 = arith.addi %add3A_215, %add3A_242 : i32
        %mul3A_244 = arith.constant 262144 : i32
        %mul3A_245 = arith.muli %arg1, %mul3A_244 : i32
        %mul3A_246 = arith.constant 4096 : i32
        %mul3A_247 = arith.muli %add3A_243, %mul3A_246 : i32
        %add3A_248 = arith.addi %mul3A_245, %mul3A_247 : i32
        %dma_start3A_249 = tpu.memref_slice %arg2[%add3A_248] : memref<4194304xi32, #tpu.memory_space<hbm>> -> memref<4096xi32, #tpu.memory_space<hbm>>
        %dma_start3A_250 = tpu.memref_slice %arg2[%add3A_248] : memref<4194304xi32, #tpu.memory_space<hbm>> -> memref<4096xi32, #tpu.memory_space<hbm>>
        tpu.enqueue_dma source(%dma_start3A_250 : memref<4096xi32, #tpu.memory_space<hbm>>) target(%arg6 : memref<4096xi32, #tpu.memory_space<vmem>>) target_semaphore(%arg12 : memref<!tpu.dma_semaphore, #tpu.memory_space<semaphore_mem>>)
      } else {
      }
      %scan3A_241 = arith.constant 0 : i32
      scf.yield %scan3A_241 : i32
    }
    %scan3A_172 = arith.constant 32 : i32
    %dma_wait3A_173 = arith.constant 0 : i32
    %dma_wait3A_174 = tpu.memref_slice %arg4[%dma_wait3A_173] : memref<1050624xf32, #tpu.memory_space<vmem_shared>> -> memref<1050624xf32, #tpu.memory_space<vmem_shared>>
    tpu.wait_indirect_dma semaphore(%arg13 : memref<!tpu.dma_semaphore, #tpu.memory_space<semaphore_mem>>) src(%arg9 : memref<4096xf32, #tpu.memory_space<vmem>>) dst(%dma_wait3A_174 : memref<1050624xf32, #tpu.memory_space<vmem_shared>>)
    %dma_wait3A_175 = arith.constant 0 : i32
    %dma_wait3A_176 = tpu.memref_slice %arg4[%dma_wait3A_175] : memref<1050624xf32, #tpu.memory_space<vmem_shared>> -> memref<1050624xf32, #tpu.memory_space<vmem_shared>>
    tpu.wait_indirect_dma semaphore(%arg14 : memref<!tpu.dma_semaphore, #tpu.memory_space<semaphore_mem>>) src(%arg10 : memref<4096xf32, #tpu.memory_space<vmem>>) dst(%dma_wait3A_176 : memref<1050624xf32, #tpu.memory_space<vmem_shared>>)
    %barrier3A_177 = arith.constant 0 : index
    tpu.barrier barrier_id(%barrier3A_177)
    %mul3A_178 = arith.constant 65536 : i32
    %mul3A_179 = arith.muli %arg1, %mul3A_178 : i32
    %mul3A_180 = arith.constant 1048576 : i32
    %mul3A_181 = arith.muli %arg0, %mul3A_180 : i32
    %mul3A_182 = arith.constant 65536 : i32
    %mul3A_183 = arith.muli %arg1, %mul3A_182 : i32
    %add3A_184 = arith.addi %mul3A_181, %mul3A_183 : i32
    "tpu.region"() ({
      %run_scoped3A = tpu.sem_alloc : memref<!tpu.dma_semaphore, #tpu.memory_space<semaphore_mem>>
      %dma_start3A_185 = tpu.memref_slice %arg3[%add3A_184] : memref<2097152xf32, #tpu.memory_space<hbm>> -> memref<65536xf32, #tpu.memory_space<hbm>>
      %dma_start3A_186 = tpu.memref_slice %arg4[%mul3A_179] : memref<1050624xf32, #tpu.memory_space<vmem_shared>> -> memref<65536xf32, #tpu.memory_space<vmem_shared>>
      tpu.enqueue_dma source(%dma_start3A_186 : memref<65536xf32, #tpu.memory_space<vmem_shared>>) target(%dma_start3A_185 : memref<65536xf32, #tpu.memory_space<hbm>>) target_semaphore(%run_scoped3A : memref<!tpu.dma_semaphore, #tpu.memory_space<semaphore_mem>>)
      %dma_wait3A_187 = tpu.memref_slice %arg3[%add3A_184] : memref<2097152xf32, #tpu.memory_space<hbm>> -> memref<65536xf32, #tpu.memory_space<hbm>>
      %dma_wait3A_188 = tpu.memref_slice %arg4[%mul3A_179] : memref<1050624xf32, #tpu.memory_space<vmem_shared>> -> memref<65536xf32, #tpu.memory_space<vmem_shared>>
      tpu.wait_dma2 semaphore(%run_scoped3A : memref<!tpu.dma_semaphore, #tpu.memory_space<semaphore_mem>>) src(%dma_wait3A_188 : memref<65536xf32, #tpu.memory_space<vmem_shared>>) dst(%dma_wait3A_187 : memref<65536xf32, #tpu.memory_space<hbm>>)
      tpu.yield
    }) : () -> ()
    return
  }
}

#map = affine_map<(d0, d1) -> (0)>
module attributes {stable_mosaic.version = 14 : i64} {
  func.func @_gather_body(%arg0: i32, %arg1: i32, %arg2: memref<4194304xi32, #tpu.memory_space<hbm>>, %arg3: memref<4194304xf32, #tpu.memory_space<hbm>>, %arg4: memref<4194304xf32, #tpu.memory_space<hbm>>, %arg5: memref<4096xi32, #tpu.memory_space<vmem>>, %arg6: memref<4096xi32, #tpu.memory_space<vmem>>, %arg7: memref<4096xi32, #tpu.memory_space<vmem>>, %arg8: memref<4096xi32, #tpu.memory_space<vmem>>, %arg9: memref<4096xf32, #tpu.memory_space<vmem>>, %arg10: memref<4096xf32, #tpu.memory_space<vmem>>, %arg11: memref<4096xf32, #tpu.memory_space<vmem>>, %arg12: memref<4096xf32, #tpu.memory_space<vmem>>, %arg13: memref<!tpu.dma_semaphore, #tpu.memory_space<semaphore_mem>>, %arg14: memref<!tpu.dma_semaphore, #tpu.memory_space<semaphore_mem>>, %arg15: memref<!tpu.dma_semaphore, #tpu.memory_space<semaphore_mem>>, %arg16: memref<!tpu.dma_semaphore, #tpu.memory_space<semaphore_mem>>, %arg17: memref<!tpu.dma_semaphore, #tpu.memory_space<semaphore_mem>>, %arg18: memref<!tpu.dma_semaphore, #tpu.memory_space<semaphore_mem>>) attributes {dimension_semantics = [#tpu.dimension_semantics<core_parallel>, #tpu.dimension_semantics<subcore_parallel>], iteration_bounds = array<i64: 2, 16>, scalar_prefetch = 0 : i64, scratch_operands = 14 : i64, tpu.core_type = #tpu.core_type<sc_vector_subcore>, window_params = [{transform_indices = #map}, {transform_indices = #map}, {transform_indices = #map}]} {
    %mul3A = arith.constant 16 : i32
    %mul3A_0 = arith.muli %arg0, %mul3A : i32
    %add3A = arith.addi %mul3A_0, %arg1 : i32
    %mul3A_1 = arith.constant 131072 : i32
    %mul3A_2 = arith.muli %add3A, %mul3A_1 : i32
    %add3A_3 = arith.constant 0 : i32
    %add3A_4 = arith.addi %mul3A_2, %add3A_3 : i32
    %dma_start3A = tpu.memref_slice %arg2[%add3A_4] : memref<4194304xi32, #tpu.memory_space<hbm>> -> memref<4096xi32, #tpu.memory_space<hbm>>
    %dma_start3A_5 = tpu.memref_slice %arg2[%add3A_4] : memref<4194304xi32, #tpu.memory_space<hbm>> -> memref<4096xi32, #tpu.memory_space<hbm>>
    tpu.enqueue_dma source(%dma_start3A_5 : memref<4096xi32, #tpu.memory_space<hbm>>) target(%arg5 : memref<4096xi32, #tpu.memory_space<vmem>>) target_semaphore(%arg13 : memref<!tpu.dma_semaphore, #tpu.memory_space<semaphore_mem>>)
    %scan3A = arith.constant 0 : i32
    %scan3A_6 = arith.constant 0 : i32
    %scan3A_7 = arith.constant 16 : i32
    %scan3A_8 = arith.addi %scan3A_6, %scan3A_7 : i32
    %scan3A_9 = arith.constant 1 : i32
    %scan3A_10 = scf.for %scan3A_38 = %scan3A_6 to %scan3A_8 step %scan3A_9 iter_args(%scan3A_39 = %scan3A) -> (i32)  : i32 {
      %mul3A_40 = arith.constant 2 : i32
      %mul3A_41 = arith.muli %scan3A_38, %mul3A_40 : i32
      %add3A_42 = arith.constant 0 : i32
      %add3A_43 = arith.addi %mul3A_41, %add3A_42 : i32
      %dma_wait3A_44 = arith.constant 0 : i32
      %dma_wait3A_45 = tpu.memref_slice %arg2[%dma_wait3A_44] : memref<4194304xi32, #tpu.memory_space<hbm>> -> memref<4096xi32, #tpu.memory_space<hbm>>
      %dma_wait3A_46 = arith.constant 0 : i32
      %dma_wait3A_47 = tpu.memref_slice %arg2[%dma_wait3A_46] : memref<4194304xi32, #tpu.memory_space<hbm>> -> memref<4096xi32, #tpu.memory_space<hbm>>
      tpu.wait_dma2 semaphore(%arg13 : memref<!tpu.dma_semaphore, #tpu.memory_space<semaphore_mem>>) src(%dma_wait3A_47 : memref<4096xi32, #tpu.memory_space<hbm>>) dst(%arg5 : memref<4096xi32, #tpu.memory_space<vmem>>)
      %scan3A_48 = arith.constant 0 : i32
      %scan3A_49 = arith.constant 0 : i32
      %scan3A_50 = arith.constant 256 : i32
      %scan3A_51 = arith.addi %scan3A_49, %scan3A_50 : i32
      %scan3A_52 = arith.constant 1 : i32
      %scan3A_53 = scf.for %scan3A_95 = %scan3A_49 to %scan3A_51 step %scan3A_52 iter_args(%scan3A_96 = %scan3A_48) -> (i32)  : i32 {
        %mul3A_97 = arith.constant 16 : i32
        %mul3A_98 = arith.muli %scan3A_95, %mul3A_97 : i32
        %get3A = arith.index_cast %mul3A_98 : i32 to index
        %get3A_99 = tpu.vector_load %arg5[%get3A] {strides = array<i32>} : memref<4096xi32, #tpu.memory_space<vmem>>, vector<16xi32>,
        %get3A_100 = vector.shape_cast %get3A_99 : vector<16xi32> to vector<16xi32>
        %min3A = arith.constant 4194303 : i32
        %min3A_101 = vector.broadcast %min3A : i32 to vector<16xi32>
        %min3A_102 = arith.minsi %get3A_100, %min3A_101 : vector<16xi32>
        %mul3A_103 = arith.constant 16 : i32
        %mul3A_104 = arith.muli %scan3A_95, %mul3A_103 : i32
        %swap3A = arith.index_cast %mul3A_104 : i32 to index
        %swap3A_105 = tpu.vector_load %arg7[%swap3A] {strides = array<i32>} : memref<4096xi32, #tpu.memory_space<vmem>>, vector<16xi32>,
        %swap3A_106 = vector.shape_cast %swap3A_105 : vector<16xi32> to vector<16xi32>
        %swap3A_107 = vector.shape_cast %min3A_102 : vector<16xi32> to vector<16xi32>
        tpu.vector_store %arg7[%swap3A], %swap3A_107 {strides = array<i32>} : memref<4096xi32, #tpu.memory_space<vmem>>, vector<16xi32>,
        %scan3A_108 = arith.constant 0 : i32
        scf.yield %scan3A_108 : i32
      }
      %scan3A_54 = arith.constant 256 : i32
      %dma_start3A_55 = arith.constant 0 : i32
      %dma_start3A_56 = tpu.memref_slice %arg3[%dma_start3A_55] : memref<4194304xf32, #tpu.memory_space<hbm>> -> memref<4194304xf32, #tpu.memory_space<hbm>>
      tpu.enqueue_indirect_dma source(%dma_start3A_56 : memref<4194304xf32, #tpu.memory_space<hbm>>) target(%arg9 : memref<4096xf32, #tpu.memory_space<vmem>>) offsets(%arg7 : memref<4096xi32, #tpu.memory_space<vmem>>) semaphore(%arg15 : memref<!tpu.dma_semaphore, #tpu.memory_space<semaphore_mem>>)
      %ge3A = arith.constant 1 : i32
      %ge3A_57 = arith.cmpi sge, %add3A_43, %ge3A : i32
      %convert_element_type3A = arith.extui %ge3A_57 : i1 to i32
      %cond3A = arith.constant 0 : i32
      %cond3A_58 = arith.cmpi ne, %convert_element_type3A, %cond3A : i32
      scf.if %cond3A_58 {
        %dma_wait3A_95 = arith.constant 0 : i32
        %dma_wait3A_96 = tpu.memref_slice %arg3[%dma_wait3A_95] : memref<4194304xf32, #tpu.memory_space<hbm>> -> memref<4194304xf32, #tpu.memory_space<hbm>>
        tpu.wait_indirect_dma semaphore(%arg16 : memref<!tpu.dma_semaphore, #tpu.memory_space<semaphore_mem>>) src(%dma_wait3A_96 : memref<4194304xf32, #tpu.memory_space<hbm>>) dst(%arg10 : memref<4096xf32, #tpu.memory_space<vmem>>)
        %ge3A_97 = arith.constant 3 : i32
        %ge3A_98 = arith.cmpi sge, %add3A_43, %ge3A_97 : i32
        %convert_element_type3A_99 = arith.extui %ge3A_98 : i1 to i32
        %cond3A_100 = arith.constant 0 : i32
        %cond3A_101 = arith.cmpi ne, %convert_element_type3A_99, %cond3A_100 : i32
        scf.if %cond3A_101 {
          %dma_wait3A_117 = arith.constant 0 : i32
          %dma_wait3A_118 = tpu.memref_slice %arg4[%dma_wait3A_117] : memref<4194304xf32, #tpu.memory_space<hbm>> -> memref<4096xf32, #tpu.memory_space<hbm>>
          %dma_wait3A_119 = arith.constant 0 : i32
          %dma_wait3A_120 = tpu.memref_slice %arg4[%dma_wait3A_119] : memref<4194304xf32, #tpu.memory_space<hbm>> -> memref<4096xf32, #tpu.memory_space<hbm>>
          tpu.wait_dma2 semaphore(%arg18 : memref<!tpu.dma_semaphore, #tpu.memory_space<semaphore_mem>>) src(%arg12 : memref<4096xf32, #tpu.memory_space<vmem>>) dst(%dma_wait3A_120 : memref<4096xf32, #tpu.memory_space<hbm>>)
        } else {
        }
        %scan3A_102 = arith.constant 0 : i32
        %scan3A_103 = arith.constant 0 : i32
        %scan3A_104 = arith.constant 256 : i32
        %scan3A_105 = arith.addi %scan3A_103, %scan3A_104 : i32
        %scan3A_106 = arith.constant 1 : i32
        %scan3A_107 = scf.for %scan3A_117 = %scan3A_103 to %scan3A_105 step %scan3A_106 iter_args(%scan3A_118 = %scan3A_102) -> (i32)  : i32 {
          %mul3A_119 = arith.constant 16 : i32
          %mul3A_120 = arith.muli %scan3A_117, %mul3A_119 : i32
          %get3A = arith.index_cast %mul3A_120 : i32 to index
          %get3A_121 = tpu.vector_load %arg10[%get3A] {strides = array<i32>} : memref<4096xf32, #tpu.memory_space<vmem>>, vector<16xf32>,
          %get3A_122 = vector.shape_cast %get3A_121 : vector<16xf32> to vector<16xf32>
          %mul3A_123 = arith.constant 16 : i32
          %mul3A_124 = arith.muli %scan3A_117, %mul3A_123 : i32
          %get3A_125 = arith.index_cast %mul3A_124 : i32 to index
          %get3A_126 = tpu.vector_load %arg6[%get3A_125] {strides = array<i32>} : memref<4096xi32, #tpu.memory_space<vmem>>, vector<16xi32>,
          %get3A_127 = vector.shape_cast %get3A_126 : vector<16xi32> to vector<16xi32>
          %lt3A_128 = arith.constant 4194304 : i32
          %lt3A_129 = vector.broadcast %lt3A_128 : i32 to vector<16xi32>
          %lt3A_130 = arith.cmpi slt, %get3A_127, %lt3A_129 : vector<16xi32>
          %max3A = arith.constant 9.99999993E-9 : f32
          %max3A_131 = vector.broadcast %max3A : f32 to vector<16xf32>
          %max3A_132 = arith.maximumf %get3A_122, %max3A_131 : vector<16xf32>
          %div3A = arith.constant 1.000000e+00 : f32
          %div3A_133 = vector.broadcast %div3A : f32 to vector<16xf32>
          %div3A_134 = arith.divf %div3A_133, %max3A_132 : vector<16xf32>
          %jit3A = arith.constant 0.000000e+00 : f32
          %broadcast_in_dim3A = vector.broadcast %jit3A : f32 to vector<16xf32>
          %select_n3A = arith.select %lt3A_130, %div3A_134, %broadcast_in_dim3A : vector<16xi1>, vector<16xf32>
          %mul3A_135 = arith.constant 16 : i32
          %mul3A_136 = arith.muli %scan3A_117, %mul3A_135 : i32
          %swap3A = arith.index_cast %mul3A_136 : i32 to index
          %swap3A_137 = tpu.vector_load %arg12[%swap3A] {strides = array<i32>} : memref<4096xf32, #tpu.memory_space<vmem>>, vector<16xf32>,
          %swap3A_138 = vector.shape_cast %swap3A_137 : vector<16xf32> to vector<16xf32>
          %swap3A_139 = vector.shape_cast %select_n3A : vector<16xf32> to vector<16xf32>
          tpu.vector_store %arg12[%swap3A], %swap3A_139 {strides = array<i32>} : memref<4096xf32, #tpu.memory_space<vmem>>, vector<16xf32>,
          %scan3A_140 = arith.constant 0 : i32
          scf.yield %scan3A_140 : i32
        }
        %scan3A_108 = arith.constant 256 : i32
        %sub3A = arith.constant 1 : i32
        %sub3A_109 = arith.subi %add3A_43, %sub3A : i32
        %mul3A_110 = arith.constant 131072 : i32
        %mul3A_111 = arith.muli %add3A, %mul3A_110 : i32
        %mul3A_112 = arith.constant 4096 : i32
        %mul3A_113 = arith.muli %sub3A_109, %mul3A_112 : i32
        %add3A_114 = arith.addi %mul3A_111, %mul3A_113 : i32
        %dma_start3A_115 = tpu.memref_slice %arg4[%add3A_114] : memref<4194304xf32, #tpu.memory_space<hbm>> -> memref<4096xf32, #tpu.memory_space<hbm>>
        %dma_start3A_116 = tpu.memref_slice %arg4[%add3A_114] : memref<4194304xf32, #tpu.memory_space<hbm>> -> memref<4096xf32, #tpu.memory_space<hbm>>
        tpu.enqueue_dma source(%arg12 : memref<4096xf32, #tpu.memory_space<vmem>>) target(%dma_start3A_116 : memref<4096xf32, #tpu.memory_space<hbm>>) target_semaphore(%arg18 : memref<!tpu.dma_semaphore, #tpu.memory_space<semaphore_mem>>)
      } else {
      }
      %add3A_59 = arith.constant 1 : i32
      %add3A_60 = arith.addi %add3A_43, %add3A_59 : i32
      %lt3A = arith.constant 32 : i32
      %lt3A_61 = arith.cmpi slt, %add3A_60, %lt3A : i32
      %convert_element_type3A_62 = arith.extui %lt3A_61 : i1 to i32
      %cond3A_63 = arith.constant 0 : i32
      %cond3A_64 = arith.cmpi ne, %convert_element_type3A_62, %cond3A_63 : i32
      scf.if %cond3A_64 {
        %add3A_95 = arith.constant 1 : i32
        %add3A_96 = arith.addi %add3A_43, %add3A_95 : i32
        %mul3A_97 = arith.constant 131072 : i32
        %mul3A_98 = arith.muli %add3A, %mul3A_97 : i32
        %mul3A_99 = arith.constant 4096 : i32
        %mul3A_100 = arith.muli %add3A_96, %mul3A_99 : i32
        %add3A_101 = arith.addi %mul3A_98, %mul3A_100 : i32
        %dma_start3A_102 = tpu.memref_slice %arg2[%add3A_101] : memref<4194304xi32, #tpu.memory_space<hbm>> -> memref<4096xi32, #tpu.memory_space<hbm>>
        %dma_start3A_103 = tpu.memref_slice %arg2[%add3A_101] : memref<4194304xi32, #tpu.memory_space<hbm>> -> memref<4096xi32, #tpu.memory_space<hbm>>
        tpu.enqueue_dma source(%dma_start3A_103 : memref<4096xi32, #tpu.memory_space<hbm>>) target(%arg6 : memref<4096xi32, #tpu.memory_space<vmem>>) target_semaphore(%arg14 : memref<!tpu.dma_semaphore, #tpu.memory_space<semaphore_mem>>)
      } else {
      }
      %mul3A_65 = arith.constant 2 : i32
      %mul3A_66 = arith.muli %scan3A_38, %mul3A_65 : i32
      %add3A_67 = arith.constant 1 : i32
      %add3A_68 = arith.addi %mul3A_66, %add3A_67 : i32
      %dma_wait3A_69 = arith.constant 0 : i32
      %dma_wait3A_70 = tpu.memref_slice %arg2[%dma_wait3A_69] : memref<4194304xi32, #tpu.memory_space<hbm>> -> memref<4096xi32, #tpu.memory_space<hbm>>
      %dma_wait3A_71 = arith.constant 0 : i32
      %dma_wait3A_72 = tpu.memref_slice %arg2[%dma_wait3A_71] : memref<4194304xi32, #tpu.memory_space<hbm>> -> memref<4096xi32, #tpu.memory_space<hbm>>
      tpu.wait_dma2 semaphore(%arg14 : memref<!tpu.dma_semaphore, #tpu.memory_space<semaphore_mem>>) src(%dma_wait3A_72 : memref<4096xi32, #tpu.memory_space<hbm>>) dst(%arg6 : memref<4096xi32, #tpu.memory_space<vmem>>)
      %scan3A_73 = arith.constant 0 : i32
      %scan3A_74 = arith.constant 0 : i32
      %scan3A_75 = arith.constant 256 : i32
      %scan3A_76 = arith.addi %scan3A_74, %scan3A_75 : i32
      %scan3A_77 = arith.constant 1 : i32
      %scan3A_78 = scf.for %scan3A_95 = %scan3A_74 to %scan3A_76 step %scan3A_77 iter_args(%scan3A_96 = %scan3A_73) -> (i32)  : i32 {
        %mul3A_97 = arith.constant 16 : i32
        %mul3A_98 = arith.muli %scan3A_95, %mul3A_97 : i32
        %get3A = arith.index_cast %mul3A_98 : i32 to index
        %get3A_99 = tpu.vector_load %arg6[%get3A] {strides = array<i32>} : memref<4096xi32, #tpu.memory_space<vmem>>, vector<16xi32>,
        %get3A_100 = vector.shape_cast %get3A_99 : vector<16xi32> to vector<16xi32>
        %min3A = arith.constant 4194303 : i32
        %min3A_101 = vector.broadcast %min3A : i32 to vector<16xi32>
        %min3A_102 = arith.minsi %get3A_100, %min3A_101 : vector<16xi32>
        %mul3A_103 = arith.constant 16 : i32
        %mul3A_104 = arith.muli %scan3A_95, %mul3A_103 : i32
        %swap3A = arith.index_cast %mul3A_104 : i32 to index
        %swap3A_105 = tpu.vector_load %arg8[%swap3A] {strides = array<i32>} : memref<4096xi32, #tpu.memory_space<vmem>>, vector<16xi32>,
        %swap3A_106 = vector.shape_cast %swap3A_105 : vector<16xi32> to vector<16xi32>
        %swap3A_107 = vector.shape_cast %min3A_102 : vector<16xi32> to vector<16xi32>
        tpu.vector_store %arg8[%swap3A], %swap3A_107 {strides = array<i32>} : memref<4096xi32, #tpu.memory_space<vmem>>, vector<16xi32>,
        %scan3A_108 = arith.constant 0 : i32
        scf.yield %scan3A_108 : i32
      }
      %scan3A_79 = arith.constant 256 : i32
      %dma_start3A_80 = arith.constant 0 : i32
      %dma_start3A_81 = tpu.memref_slice %arg3[%dma_start3A_80] : memref<4194304xf32, #tpu.memory_space<hbm>> -> memref<4194304xf32, #tpu.memory_space<hbm>>
      tpu.enqueue_indirect_dma source(%dma_start3A_81 : memref<4194304xf32, #tpu.memory_space<hbm>>) target(%arg10 : memref<4096xf32, #tpu.memory_space<vmem>>) offsets(%arg8 : memref<4096xi32, #tpu.memory_space<vmem>>) semaphore(%arg16 : memref<!tpu.dma_semaphore, #tpu.memory_space<semaphore_mem>>)
      %ge3A_82 = arith.constant 1 : i32
      %ge3A_83 = arith.cmpi sge, %add3A_68, %ge3A_82 : i32
      %convert_element_type3A_84 = arith.extui %ge3A_83 : i1 to i32
      %cond3A_85 = arith.constant 0 : i32
      %cond3A_86 = arith.cmpi ne, %convert_element_type3A_84, %cond3A_85 : i32
      scf.if %cond3A_86 {
        %dma_wait3A_95 = arith.constant 0 : i32
        %dma_wait3A_96 = tpu.memref_slice %arg3[%dma_wait3A_95] : memref<4194304xf32, #tpu.memory_space<hbm>> -> memref<4194304xf32, #tpu.memory_space<hbm>>
        tpu.wait_indirect_dma semaphore(%arg15 : memref<!tpu.dma_semaphore, #tpu.memory_space<semaphore_mem>>) src(%dma_wait3A_96 : memref<4194304xf32, #tpu.memory_space<hbm>>) dst(%arg9 : memref<4096xf32, #tpu.memory_space<vmem>>)
        %ge3A_97 = arith.constant 3 : i32
        %ge3A_98 = arith.cmpi sge, %add3A_68, %ge3A_97 : i32
        %convert_element_type3A_99 = arith.extui %ge3A_98 : i1 to i32
        %cond3A_100 = arith.constant 0 : i32
        %cond3A_101 = arith.cmpi ne, %convert_element_type3A_99, %cond3A_100 : i32
        scf.if %cond3A_101 {
          %dma_wait3A_117 = arith.constant 0 : i32
          %dma_wait3A_118 = tpu.memref_slice %arg4[%dma_wait3A_117] : memref<4194304xf32, #tpu.memory_space<hbm>> -> memref<4096xf32, #tpu.memory_space<hbm>>
          %dma_wait3A_119 = arith.constant 0 : i32
          %dma_wait3A_120 = tpu.memref_slice %arg4[%dma_wait3A_119] : memref<4194304xf32, #tpu.memory_space<hbm>> -> memref<4096xf32, #tpu.memory_space<hbm>>
          tpu.wait_dma2 semaphore(%arg17 : memref<!tpu.dma_semaphore, #tpu.memory_space<semaphore_mem>>) src(%arg11 : memref<4096xf32, #tpu.memory_space<vmem>>) dst(%dma_wait3A_120 : memref<4096xf32, #tpu.memory_space<hbm>>)
        } else {
        }
        %scan3A_102 = arith.constant 0 : i32
        %scan3A_103 = arith.constant 0 : i32
        %scan3A_104 = arith.constant 256 : i32
        %scan3A_105 = arith.addi %scan3A_103, %scan3A_104 : i32
        %scan3A_106 = arith.constant 1 : i32
        %scan3A_107 = scf.for %scan3A_117 = %scan3A_103 to %scan3A_105 step %scan3A_106 iter_args(%scan3A_118 = %scan3A_102) -> (i32)  : i32 {
          %mul3A_119 = arith.constant 16 : i32
          %mul3A_120 = arith.muli %scan3A_117, %mul3A_119 : i32
          %get3A = arith.index_cast %mul3A_120 : i32 to index
          %get3A_121 = tpu.vector_load %arg9[%get3A] {strides = array<i32>} : memref<4096xf32, #tpu.memory_space<vmem>>, vector<16xf32>,
          %get3A_122 = vector.shape_cast %get3A_121 : vector<16xf32> to vector<16xf32>
          %mul3A_123 = arith.constant 16 : i32
          %mul3A_124 = arith.muli %scan3A_117, %mul3A_123 : i32
          %get3A_125 = arith.index_cast %mul3A_124 : i32 to index
          %get3A_126 = tpu.vector_load %arg5[%get3A_125] {strides = array<i32>} : memref<4096xi32, #tpu.memory_space<vmem>>, vector<16xi32>,
          %get3A_127 = vector.shape_cast %get3A_126 : vector<16xi32> to vector<16xi32>
          %lt3A_128 = arith.constant 4194304 : i32
          %lt3A_129 = vector.broadcast %lt3A_128 : i32 to vector<16xi32>
          %lt3A_130 = arith.cmpi slt, %get3A_127, %lt3A_129 : vector<16xi32>
          %max3A = arith.constant 9.99999993E-9 : f32
          %max3A_131 = vector.broadcast %max3A : f32 to vector<16xf32>
          %max3A_132 = arith.maximumf %get3A_122, %max3A_131 : vector<16xf32>
          %div3A = arith.constant 1.000000e+00 : f32
          %div3A_133 = vector.broadcast %div3A : f32 to vector<16xf32>
          %div3A_134 = arith.divf %div3A_133, %max3A_132 : vector<16xf32>
          %jit3A = arith.constant 0.000000e+00 : f32
          %broadcast_in_dim3A = vector.broadcast %jit3A : f32 to vector<16xf32>
          %select_n3A = arith.select %lt3A_130, %div3A_134, %broadcast_in_dim3A : vector<16xi1>, vector<16xf32>
          %mul3A_135 = arith.constant 16 : i32
          %mul3A_136 = arith.muli %scan3A_117, %mul3A_135 : i32
          %swap3A = arith.index_cast %mul3A_136 : i32 to index
          %swap3A_137 = tpu.vector_load %arg11[%swap3A] {strides = array<i32>} : memref<4096xf32, #tpu.memory_space<vmem>>, vector<16xf32>,
          %swap3A_138 = vector.shape_cast %swap3A_137 : vector<16xf32> to vector<16xf32>
          %swap3A_139 = vector.shape_cast %select_n3A : vector<16xf32> to vector<16xf32>
          tpu.vector_store %arg11[%swap3A], %swap3A_139 {strides = array<i32>} : memref<4096xf32, #tpu.memory_space<vmem>>, vector<16xf32>,
          %scan3A_140 = arith.constant 0 : i32
          scf.yield %scan3A_140 : i32
        }
        %scan3A_108 = arith.constant 256 : i32
        %sub3A = arith.constant 1 : i32
        %sub3A_109 = arith.subi %add3A_68, %sub3A : i32
        %mul3A_110 = arith.constant 131072 : i32
        %mul3A_111 = arith.muli %add3A, %mul3A_110 : i32
        %mul3A_112 = arith.constant 4096 : i32
        %mul3A_113 = arith.muli %sub3A_109, %mul3A_112 : i32
        %add3A_114 = arith.addi %mul3A_111, %mul3A_113 : i32
        %dma_start3A_115 = tpu.memref_slice %arg4[%add3A_114] : memref<4194304xf32, #tpu.memory_space<hbm>> -> memref<4096xf32, #tpu.memory_space<hbm>>
        %dma_start3A_116 = tpu.memref_slice %arg4[%add3A_114] : memref<4194304xf32, #tpu.memory_space<hbm>> -> memref<4096xf32, #tpu.memory_space<hbm>>
        tpu.enqueue_dma source(%arg11 : memref<4096xf32, #tpu.memory_space<vmem>>) target(%dma_start3A_116 : memref<4096xf32, #tpu.memory_space<hbm>>) target_semaphore(%arg17 : memref<!tpu.dma_semaphore, #tpu.memory_space<semaphore_mem>>)
      } else {
      }
      %add3A_87 = arith.constant 1 : i32
      %add3A_88 = arith.addi %add3A_68, %add3A_87 : i32
      %lt3A_89 = arith.constant 32 : i32
      %lt3A_90 = arith.cmpi slt, %add3A_88, %lt3A_89 : i32
      %convert_element_type3A_91 = arith.extui %lt3A_90 : i1 to i32
      %cond3A_92 = arith.constant 0 : i32
      %cond3A_93 = arith.cmpi ne, %convert_element_type3A_91, %cond3A_92 : i32
      scf.if %cond3A_93 {
        %add3A_95 = arith.constant 1 : i32
        %add3A_96 = arith.addi %add3A_68, %add3A_95 : i32
        %mul3A_97 = arith.constant 131072 : i32
        %mul3A_98 = arith.muli %add3A, %mul3A_97 : i32
        %mul3A_99 = arith.constant 4096 : i32
        %mul3A_100 = arith.muli %add3A_96, %mul3A_99 : i32
        %add3A_101 = arith.addi %mul3A_98, %mul3A_100 : i32
        %dma_start3A_102 = tpu.memref_slice %arg2[%add3A_101] : memref<4194304xi32, #tpu.memory_space<hbm>> -> memref<4096xi32, #tpu.memory_space<hbm>>
        %dma_start3A_103 = tpu.memref_slice %arg2[%add3A_101] : memref<4194304xi32, #tpu.memory_space<hbm>> -> memref<4096xi32, #tpu.memory_space<hbm>>
        tpu.enqueue_dma source(%dma_start3A_103 : memref<4096xi32, #tpu.memory_space<hbm>>) target(%arg5 : memref<4096xi32, #tpu.memory_space<vmem>>) target_semaphore(%arg13 : memref<!tpu.dma_semaphore, #tpu.memory_space<semaphore_mem>>)
      } else {
      }
      %scan3A_94 = arith.constant 0 : i32
      scf.yield %scan3A_94 : i32
    }
    %scan3A_11 = arith.constant 16 : i32
    %dma_wait3A = arith.constant 0 : i32
    %dma_wait3A_12 = tpu.memref_slice %arg3[%dma_wait3A] : memref<4194304xf32, #tpu.memory_space<hbm>> -> memref<4194304xf32, #tpu.memory_space<hbm>>
    tpu.wait_indirect_dma semaphore(%arg16 : memref<!tpu.dma_semaphore, #tpu.memory_space<semaphore_mem>>) src(%dma_wait3A_12 : memref<4194304xf32, #tpu.memory_space<hbm>>) dst(%arg10 : memref<4096xf32, #tpu.memory_space<vmem>>)
    %dma_wait3A_13 = arith.constant 0 : i32
    %dma_wait3A_14 = tpu.memref_slice %arg4[%dma_wait3A_13] : memref<4194304xf32, #tpu.memory_space<hbm>> -> memref<4096xf32, #tpu.memory_space<hbm>>
    %dma_wait3A_15 = arith.constant 0 : i32
    %dma_wait3A_16 = tpu.memref_slice %arg4[%dma_wait3A_15] : memref<4194304xf32, #tpu.memory_space<hbm>> -> memref<4096xf32, #tpu.memory_space<hbm>>
    tpu.wait_dma2 semaphore(%arg18 : memref<!tpu.dma_semaphore, #tpu.memory_space<semaphore_mem>>) src(%arg12 : memref<4096xf32, #tpu.memory_space<vmem>>) dst(%dma_wait3A_16 : memref<4096xf32, #tpu.memory_space<hbm>>)
    %scan3A_17 = arith.constant 0 : i32
    %scan3A_18 = arith.constant 0 : i32
    %scan3A_19 = arith.constant 256 : i32
    %scan3A_20 = arith.addi %scan3A_18, %scan3A_19 : i32
    %scan3A_21 = arith.constant 1 : i32
    %scan3A_22 = scf.for %scan3A_38 = %scan3A_18 to %scan3A_20 step %scan3A_21 iter_args(%scan3A_39 = %scan3A_17) -> (i32)  : i32 {
      %mul3A_40 = arith.constant 16 : i32
      %mul3A_41 = arith.muli %scan3A_38, %mul3A_40 : i32
      %get3A = arith.index_cast %mul3A_41 : i32 to index
      %get3A_42 = tpu.vector_load %arg10[%get3A] {strides = array<i32>} : memref<4096xf32, #tpu.memory_space<vmem>>, vector<16xf32>,
      %get3A_43 = vector.shape_cast %get3A_42 : vector<16xf32> to vector<16xf32>
      %mul3A_44 = arith.constant 16 : i32
      %mul3A_45 = arith.muli %scan3A_38, %mul3A_44 : i32
      %get3A_46 = arith.index_cast %mul3A_45 : i32 to index
      %get3A_47 = tpu.vector_load %arg6[%get3A_46] {strides = array<i32>} : memref<4096xi32, #tpu.memory_space<vmem>>, vector<16xi32>,
      %get3A_48 = vector.shape_cast %get3A_47 : vector<16xi32> to vector<16xi32>
      %lt3A = arith.constant 4194304 : i32
      %lt3A_49 = vector.broadcast %lt3A : i32 to vector<16xi32>
      %lt3A_50 = arith.cmpi slt, %get3A_48, %lt3A_49 : vector<16xi32>
      %max3A = arith.constant 9.99999993E-9 : f32
      %max3A_51 = vector.broadcast %max3A : f32 to vector<16xf32>
      %max3A_52 = arith.maximumf %get3A_43, %max3A_51 : vector<16xf32>
      %div3A = arith.constant 1.000000e+00 : f32
      %div3A_53 = vector.broadcast %div3A : f32 to vector<16xf32>
      %div3A_54 = arith.divf %div3A_53, %max3A_52 : vector<16xf32>
      %jit3A = arith.constant 0.000000e+00 : f32
      %broadcast_in_dim3A = vector.broadcast %jit3A : f32 to vector<16xf32>
      %select_n3A = arith.select %lt3A_50, %div3A_54, %broadcast_in_dim3A : vector<16xi1>, vector<16xf32>
      %mul3A_55 = arith.constant 16 : i32
      %mul3A_56 = arith.muli %scan3A_38, %mul3A_55 : i32
      %swap3A = arith.index_cast %mul3A_56 : i32 to index
      %swap3A_57 = tpu.vector_load %arg12[%swap3A] {strides = array<i32>} : memref<4096xf32, #tpu.memory_space<vmem>>, vector<16xf32>,
      %swap3A_58 = vector.shape_cast %swap3A_57 : vector<16xf32> to vector<16xf32>
      %swap3A_59 = vector.shape_cast %select_n3A : vector<16xf32> to vector<16xf32>
      tpu.vector_store %arg12[%swap3A], %swap3A_59 {strides = array<i32>} : memref<4096xf32, #tpu.memory_space<vmem>>, vector<16xf32>,
      %scan3A_60 = arith.constant 0 : i32
      scf.yield %scan3A_60 : i32
    }
    %scan3A_23 = arith.constant 256 : i32
    %mul3A_24 = arith.constant 131072 : i32
    %mul3A_25 = arith.muli %add3A, %mul3A_24 : i32
    %add3A_26 = arith.constant 126976 : i32
    %add3A_27 = arith.addi %mul3A_25, %add3A_26 : i32
    %dma_start3A_28 = tpu.memref_slice %arg4[%add3A_27] : memref<4194304xf32, #tpu.memory_space<hbm>> -> memref<4096xf32, #tpu.memory_space<hbm>>
    %dma_start3A_29 = tpu.memref_slice %arg4[%add3A_27] : memref<4194304xf32, #tpu.memory_space<hbm>> -> memref<4096xf32, #tpu.memory_space<hbm>>
    tpu.enqueue_dma source(%arg12 : memref<4096xf32, #tpu.memory_space<vmem>>) target(%dma_start3A_29 : memref<4096xf32, #tpu.memory_space<hbm>>) target_semaphore(%arg18 : memref<!tpu.dma_semaphore, #tpu.memory_space<semaphore_mem>>)
    %dma_wait3A_30 = arith.constant 0 : i32
    %dma_wait3A_31 = tpu.memref_slice %arg4[%dma_wait3A_30] : memref<4194304xf32, #tpu.memory_space<hbm>> -> memref<4096xf32, #tpu.memory_space<hbm>>
    %dma_wait3A_32 = arith.constant 0 : i32
    %dma_wait3A_33 = tpu.memref_slice %arg4[%dma_wait3A_32] : memref<4194304xf32, #tpu.memory_space<hbm>> -> memref<4096xf32, #tpu.memory_space<hbm>>
    tpu.wait_dma2 semaphore(%arg17 : memref<!tpu.dma_semaphore, #tpu.memory_space<semaphore_mem>>) src(%arg11 : memref<4096xf32, #tpu.memory_space<vmem>>) dst(%dma_wait3A_33 : memref<4096xf32, #tpu.memory_space<hbm>>)
    %dma_wait3A_34 = arith.constant 0 : i32
    %dma_wait3A_35 = tpu.memref_slice %arg4[%dma_wait3A_34] : memref<4194304xf32, #tpu.memory_space<hbm>> -> memref<4096xf32, #tpu.memory_space<hbm>>
    %dma_wait3A_36 = arith.constant 0 : i32
    %dma_wait3A_37 = tpu.memref_slice %arg4[%dma_wait3A_36] : memref<4194304xf32, #tpu.memory_space<hbm>> -> memref<4096xf32, #tpu.memory_space<hbm>>
    tpu.wait_dma2 semaphore(%arg18 : memref<!tpu.dma_semaphore, #tpu.memory_space<semaphore_mem>>) src(%arg12 : memref<4096xf32, #tpu.memory_space<vmem>>) dst(%dma_wait3A_37 : memref<4096xf32, #tpu.memory_space<hbm>>)
    return
  }
}

module attributes {stable_mosaic.version = 14 : i64} {
  func.func @_conv_body(%arg0: i32, %arg1: memref<256x2048xf32, #tpu.memory_space<vmem>>, %arg2: memref<256x2048xf32, #tpu.memory_space<vmem>>, %arg3: memref<256x2048xf32, #tpu.memory_space<vmem>>, %arg4: memref<256x2048xf32, #tpu.memory_space<vmem>>) attributes {dimension_semantics = [#tpu.dimension_semantics<arbitrary>], iteration_bounds = array<i64: 8>, scalar_prefetch = 0 : i64, scratch_operands = 0 : i64, tpu.core_type = #tpu.core_type<tc>, window_params = [{transform_indices = @transform_0, window_bounds = array<i64: 256, 2048>}, {transform_indices = @transform_1, window_bounds = array<i64: 256, 2048>}, {transform_indices = @transform_2, window_bounds = array<i64: 256, 2048>}, {transform_indices = @transform_3, window_bounds = array<i64: 256, 2048>}]} {
    %get3A = arith.constant 0 : index
    %get3A_0 = arith.constant 0 : index
    %get3A_1 = vector.load %arg2[%get3A, %get3A_0] : memref<256x2048xf32, #tpu.memory_space<vmem>>, vector<256x2048xf32>
    %shift_right_arithmetic3A = arith.constant 1 : i32
    %shift_right_arithmetic3A_2 = arith.shrsi %arg0, %shift_right_arithmetic3A : i32
    %and3A = arith.constant 1 : i32
    %and3A_3 = arith.andi %shift_right_arithmetic3A_2, %and3A : i32
    %eq3A = arith.constant 1 : i32
    %eq3A_4 = arith.cmpi eq, %and3A_3, %eq3A : i32
    %mul3A = arith.constant 2.44140625E-4 : f32
    %mul3A_5 = vector.broadcast %mul3A : f32 to vector<256x2048xf32>
    %mul3A_6 = arith.mulf %get3A_1, %mul3A_5 : vector<256x2048xf32>
    %floor3A = math.floor %mul3A_6 : vector<256x2048xf32>
    %mul3A_7 = arith.constant 4.096000e+03 : f32
    %mul3A_8 = vector.broadcast %mul3A_7 : f32 to vector<256x2048xf32>
    %mul3A_9 = arith.mulf %floor3A, %mul3A_8 : vector<256x2048xf32>
    %sub3A = arith.subf %get3A_1, %mul3A_9 : vector<256x2048xf32>
    %select_n3A = arith.select %eq3A_4, %floor3A, %sub3A : vector<256x2048xf32>
    %get3A_10 = arith.constant 254 : index
    %get3A_11 = arith.constant 0 : index
    %get3A_12 = vector.load %arg1[%get3A_10, %get3A_11] : memref<256x2048xf32, #tpu.memory_space<vmem>>, vector<2x2048xf32>
    %sub3A_13 = arith.constant 1 : i32
    %sub3A_14 = arith.subi %arg0, %sub3A_13 : i32
    %shift_right_arithmetic3A_15 = arith.constant 1 : i32
    %shift_right_arithmetic3A_16 = arith.shrsi %sub3A_14, %shift_right_arithmetic3A_15 : i32
    %and3A_17 = arith.constant 1 : i32
    %and3A_18 = arith.andi %shift_right_arithmetic3A_16, %and3A_17 : i32
    %eq3A_19 = arith.constant 1 : i32
    %eq3A_20 = arith.cmpi eq, %and3A_18, %eq3A_19 : i32
    %mul3A_21 = arith.constant 2.44140625E-4 : f32
    %mul3A_22 = vector.broadcast %mul3A_21 : f32 to vector<2x2048xf32>
    %mul3A_23 = arith.mulf %get3A_12, %mul3A_22 : vector<2x2048xf32>
    %floor3A_24 = math.floor %mul3A_23 : vector<2x2048xf32>
    %mul3A_25 = arith.constant 4.096000e+03 : f32
    %mul3A_26 = vector.broadcast %mul3A_25 : f32 to vector<2x2048xf32>
    %mul3A_27 = arith.mulf %floor3A_24, %mul3A_26 : vector<2x2048xf32>
    %sub3A_28 = arith.subf %get3A_12, %mul3A_27 : vector<2x2048xf32>
    %select_n3A_29 = arith.select %eq3A_20, %floor3A_24, %sub3A_28 : vector<2x2048xf32>
    %eq3A_30 = arith.constant 0 : i32
    %eq3A_31 = arith.cmpi eq, %arg0, %eq3A_30 : i32
    %broadcast_in_dim3A = arith.constant 0.000000e+00 : f32
    %broadcast_in_dim3A_32 = vector.broadcast %broadcast_in_dim3A : f32 to vector<2x2048xf32>
    %select_n3A_33 = arith.select %eq3A_31, %broadcast_in_dim3A_32, %select_n3A_29 : vector<2x2048xf32>
    %get3A_34 = arith.constant 0 : index
    %get3A_35 = arith.constant 0 : index
    %get3A_36 = vector.load %arg3[%get3A_34, %get3A_35] : memref<256x2048xf32, #tpu.memory_space<vmem>>, vector<2x2048xf32>
    %add3A = arith.constant 1 : i32
    %add3A_37 = arith.addi %arg0, %add3A : i32
    %shift_right_arithmetic3A_38 = arith.constant 1 : i32
    %shift_right_arithmetic3A_39 = arith.shrsi %add3A_37, %shift_right_arithmetic3A_38 : i32
    %and3A_40 = arith.constant 1 : i32
    %and3A_41 = arith.andi %shift_right_arithmetic3A_39, %and3A_40 : i32
    %eq3A_42 = arith.constant 1 : i32
    %eq3A_43 = arith.cmpi eq, %and3A_41, %eq3A_42 : i32
    %mul3A_44 = arith.constant 2.44140625E-4 : f32
    %mul3A_45 = vector.broadcast %mul3A_44 : f32 to vector<2x2048xf32>
    %mul3A_46 = arith.mulf %get3A_36, %mul3A_45 : vector<2x2048xf32>
    %floor3A_47 = math.floor %mul3A_46 : vector<2x2048xf32>
    %mul3A_48 = arith.constant 4.096000e+03 : f32
    %mul3A_49 = vector.broadcast %mul3A_48 : f32 to vector<2x2048xf32>
    %mul3A_50 = arith.mulf %floor3A_47, %mul3A_49 : vector<2x2048xf32>
    %sub3A_51 = arith.subf %get3A_36, %mul3A_50 : vector<2x2048xf32>
    %select_n3A_52 = arith.select %eq3A_43, %floor3A_47, %sub3A_51 : vector<2x2048xf32>
    %eq3A_53 = arith.constant 7 : i32
    %eq3A_54 = arith.cmpi eq, %arg0, %eq3A_53 : i32
    %broadcast_in_dim3A_55 = arith.constant 0.000000e+00 : f32
    %broadcast_in_dim3A_56 = vector.broadcast %broadcast_in_dim3A_55 : f32 to vector<2x2048xf32>
    %select_n3A_57 = arith.select %eq3A_54, %broadcast_in_dim3A_56, %select_n3A_52 : vector<2x2048xf32>
    %concatenate3A = tpu.concatenate %select_n3A_33, %select_n3A, %select_n3A_57 in 0 : vector<2x2048xf32>, vector<256x2048xf32>, vector<2x2048xf32> -> vector<260x2048xf32>
    %broadcast_in_dim3A_58 = arith.constant 0.000000e+00 : f32
    %broadcast_in_dim3A_59 = vector.broadcast %broadcast_in_dim3A_58 : f32 to vector<260x1xf32>
    %broadcast_in_dim3A_60 = arith.constant 0.000000e+00 : f32
    %broadcast_in_dim3A_61 = vector.broadcast %broadcast_in_dim3A_60 : f32 to vector<260x2xf32>
    %slice3A = vector.extract_strided_slice %concatenate3A {offsets = [0, 1], sizes = [260, 2047], strides = [1, 1]} : vector<260x2048xf32> to vector<260x2047xf32>
    %concatenate3A_62 = tpu.concatenate %slice3A, %broadcast_in_dim3A_59 in 1 : vector<260x2047xf32>, vector<260x1xf32> -> vector<260x2048xf32>
    %add3A_63 = arith.addf %concatenate3A, %concatenate3A_62 : vector<260x2048xf32>
    %slice3A_64 = vector.extract_strided_slice %concatenate3A {offsets = [0, 0], sizes = [260, 2047], strides = [1, 1]} : vector<260x2048xf32> to vector<260x2047xf32>
    %concatenate3A_65 = tpu.concatenate %broadcast_in_dim3A_59, %slice3A_64 in 1 : vector<260x1xf32>, vector<260x2047xf32> -> vector<260x2048xf32>
    %add3A_66 = arith.addf %add3A_63, %concatenate3A_65 : vector<260x2048xf32>
    %slice3A_67 = vector.extract_strided_slice %concatenate3A {offsets = [0, 2], sizes = [260, 2046], strides = [1, 1]} : vector<260x2048xf32> to vector<260x2046xf32>
    %concatenate3A_68 = tpu.concatenate %slice3A_67, %broadcast_in_dim3A_61 in 1 : vector<260x2046xf32>, vector<260x2xf32> -> vector<260x2048xf32>
    %add3A_69 = arith.addf %add3A_66, %concatenate3A_68 : vector<260x2048xf32>
    %slice3A_70 = vector.extract_strided_slice %concatenate3A {offsets = [0, 0], sizes = [260, 2046], strides = [1, 1]} : vector<260x2048xf32> to vector<260x2046xf32>
    %concatenate3A_71 = tpu.concatenate %broadcast_in_dim3A_61, %slice3A_70 in 1 : vector<260x2xf32>, vector<260x2046xf32> -> vector<260x2048xf32>
    %add3A_72 = arith.addf %add3A_69, %concatenate3A_71 : vector<260x2048xf32>
    %slice3A_73 = vector.extract_strided_slice %add3A_72 {offsets = [0, 0], sizes = [256, 2048], strides = [1, 1]} : vector<260x2048xf32> to vector<256x2048xf32>
    %slice3A_74 = vector.extract_strided_slice %add3A_72 {offsets = [1, 0], sizes = [256, 2048], strides = [1, 1]} : vector<260x2048xf32> to vector<256x2048xf32>
    %add3A_75 = arith.addf %slice3A_73, %slice3A_74 : vector<256x2048xf32>
    %slice3A_76 = vector.extract_strided_slice %add3A_72 {offsets = [2, 0], sizes = [256, 2048], strides = [1, 1]} : vector<260x2048xf32> to vector<256x2048xf32>
    %add3A_77 = arith.addf %add3A_75, %slice3A_76 : vector<256x2048xf32>
    %slice3A_78 = vector.extract_strided_slice %add3A_72 {offsets = [3, 0], sizes = [256, 2048], strides = [1, 1]} : vector<260x2048xf32> to vector<256x2048xf32>
    %add3A_79 = arith.addf %add3A_77, %slice3A_78 : vector<256x2048xf32>
    %slice3A_80 = vector.extract_strided_slice %add3A_72 {offsets = [4, 0], sizes = [256, 2048], strides = [1, 1]} : vector<260x2048xf32> to vector<256x2048xf32>
    %add3A_81 = arith.addf %add3A_79, %slice3A_80 : vector<256x2048xf32>
    %mul3A_82 = arith.constant 4.000000e-02 : f32
    %mul3A_83 = vector.broadcast %mul3A_82 : f32 to vector<256x2048xf32>
    %mul3A_84 = arith.mulf %add3A_81, %mul3A_83 : vector<256x2048xf32>
    %swap3A = arith.constant 0 : index
    %swap3A_85 = arith.constant 0 : index
    %swap3A_86 = vector.load %arg4[%swap3A, %swap3A_85] : memref<256x2048xf32, #tpu.memory_space<vmem>>, vector<256x2048xf32>
    tpu.vector_store %arg4[%swap3A, %swap3A_85], %mul3A_84 {strides = array<i32>} : memref<256x2048xf32, #tpu.memory_space<vmem>>, vector<256x2048xf32>,
    return
  }
  func.func @transform_0(%arg0: i32) -> (i32, i32) {
    %sub3A = arith.constant 1 : i32
    %sub3A_0 = arith.subi %arg0, %sub3A : i32
    %max3A = arith.constant 0 : i32
    %max3A_1 = arith.maxsi %sub3A_0, %max3A : i32
    %and3A = arith.constant 1 : i32
    %and3A_2 = arith.andi %max3A_1, %and3A : i32
    %shift_right_arithmetic3A = arith.constant 2 : i32
    %shift_right_arithmetic3A_3 = arith.shrsi %max3A_1, %shift_right_arithmetic3A : i32
    %mul3A = arith.constant 2 : i32
    %mul3A_4 = arith.muli %mul3A, %shift_right_arithmetic3A_3 : i32
    %add3A = arith.addi %and3A_2, %mul3A_4 : i32
    %c0_i32 = arith.constant 0 : i32
    %c0_i32_5 = arith.constant 0 : i32
    return %add3A, %c0_i32 : i32, i32
  }
  func.func @transform_1(%arg0: i32) -> (i32, i32) {
    %and3A = arith.constant 1 : i32
    %and3A_0 = arith.andi %arg0, %and3A : i32
    %shift_right_arithmetic3A = arith.constant 2 : i32
    %shift_right_arithmetic3A_1 = arith.shrsi %arg0, %shift_right_arithmetic3A : i32
    %mul3A = arith.constant 2 : i32
    %mul3A_2 = arith.muli %mul3A, %shift_right_arithmetic3A_1 : i32
    %add3A = arith.addi %and3A_0, %mul3A_2 : i32
    %c0_i32 = arith.constant 0 : i32
    %c0_i32_3 = arith.constant 0 : i32
    return %add3A, %c0_i32 : i32, i32
  }
  func.func @transform_2(%arg0: i32) -> (i32, i32) {
    %add3A = arith.constant 1 : i32
    %add3A_0 = arith.addi %arg0, %add3A : i32
    %min3A = arith.constant 7 : i32
    %min3A_1 = arith.minsi %add3A_0, %min3A : i32
    %and3A = arith.constant 1 : i32
    %and3A_2 = arith.andi %min3A_1, %and3A : i32
    %shift_right_arithmetic3A = arith.constant 2 : i32
    %shift_right_arithmetic3A_3 = arith.shrsi %min3A_1, %shift_right_arithmetic3A : i32
    %mul3A = arith.constant 2 : i32
    %mul3A_4 = arith.muli %mul3A, %shift_right_arithmetic3A_3 : i32
    %add3A_5 = arith.addi %and3A_2, %mul3A_4 : i32
    %c0_i32 = arith.constant 0 : i32
    %c0_i32_6 = arith.constant 0 : i32
    return %add3A_5, %c0_i32 : i32, i32
  }
  func.func @transform_3(%arg0: i32) -> (i32, i32) {
    %c0_i32 = arith.constant 0 : i32
    %c0_i32_0 = arith.constant 0 : i32
    return %arg0, %c0_i32 : i32, i32
  }
}

module attributes {stable_mosaic.version = 14 : i64} {
  func.func @_idx_body(%arg0: i32, %arg1: memref<524288xf32, #tpu.memory_space<vmem>>, %arg2: memref<524288xf32, #tpu.memory_space<vmem>>, %arg3: memref<524288xi32, #tpu.memory_space<vmem>>, %arg4: memref<524288xi32, #tpu.memory_space<vmem>>) attributes {dimension_semantics = [#tpu.dimension_semantics<arbitrary>], iteration_bounds = array<i64: 8>, scalar_prefetch = 0 : i64, scratch_operands = 0 : i64, tpu.core_type = #tpu.core_type<tc>, window_params = [{transform_indices = @transform_0, window_bounds = array<i64: 524288>}, {transform_indices = @transform_1, window_bounds = array<i64: 524288>}, {transform_indices = @transform_2, window_bounds = array<i64: 524288>}, {transform_indices = @transform_3, window_bounds = array<i64: 524288>}]} {
    %get3A = arith.constant 0 : index
    %get3A_0 = vector.load %arg1[%get3A] : memref<524288xf32, #tpu.memory_space<vmem>>, vector<524288xf32>
    %get3A_1 = arith.constant 0 : index
    %get3A_2 = vector.load %arg2[%get3A_1] : memref<524288xf32, #tpu.memory_space<vmem>>, vector<524288xf32>
    %lt3A = arith.constant 0.000000e+00 : f32
    %lt3A_3 = vector.broadcast %lt3A : f32 to vector<524288xf32>
    %lt3A_4 = arith.cmpf olt, %get3A_2, %lt3A_3 : vector<524288xf32>
    %neg3A = arith.constant 0.000000e+00 : f32
    %neg3A_5 = vector.broadcast %neg3A : f32 to vector<524288xf32>
    %neg3A_6 = arith.subf %neg3A_5, %get3A_0 : vector<524288xf32>
    %select_n3A = arith.select %lt3A_4, %neg3A_6, %get3A_0 : vector<524288xi1>, vector<524288xf32>
    %neg3A_7 = arith.constant 0.000000e+00 : f32
    %neg3A_8 = vector.broadcast %neg3A_7 : f32 to vector<524288xf32>
    %neg3A_9 = arith.subf %neg3A_8, %get3A_2 : vector<524288xf32>
    %select_n3A_10 = arith.select %lt3A_4, %neg3A_9, %get3A_2 : vector<524288xi1>, vector<524288xf32>
    %add3A = arith.constant 1.000000e+00 : f32
    %add3A_11 = vector.broadcast %add3A : f32 to vector<524288xf32>
    %add3A_12 = arith.addf %select_n3A, %add3A_11 : vector<524288xf32>
    %mul3A = arith.constant 1.024000e+03 : f32
    %mul3A_13 = vector.broadcast %mul3A : f32 to vector<524288xf32>
    %mul3A_14 = arith.mulf %add3A_12, %mul3A_13 : vector<524288xf32>
    %floor3A = math.floor %mul3A_14 : vector<524288xf32>
    %convert_element_type3A = arith.fptosi %floor3A : vector<524288xf32> to vector<524288xi32>
    %add3A_15 = arith.constant 1.000000e+00 : f32
    %add3A_16 = vector.broadcast %add3A_15 : f32 to vector<524288xf32>
    %add3A_17 = arith.addf %select_n3A_10, %add3A_16 : vector<524288xf32>
    %mul3A_18 = arith.constant 1.024000e+03 : f32
    %mul3A_19 = vector.broadcast %mul3A_18 : f32 to vector<524288xf32>
    %mul3A_20 = arith.mulf %add3A_17, %mul3A_19 : vector<524288xf32>
    %floor3A_21 = math.floor %mul3A_20 : vector<524288xf32>
    %convert_element_type3A_22 = arith.fptosi %floor3A_21 : vector<524288xf32> to vector<524288xi32>
    %ge3A = arith.constant 0 : i32
    %ge3A_23 = vector.broadcast %ge3A : i32 to vector<524288xi32>
    %ge3A_24 = arith.cmpi sge, %convert_element_type3A, %ge3A_23 : vector<524288xi32>
    %lt3A_25 = arith.constant 2048 : i32
    %lt3A_26 = vector.broadcast %lt3A_25 : i32 to vector<524288xi32>
    %lt3A_27 = arith.cmpi slt, %convert_element_type3A, %lt3A_26 : vector<524288xi32>
    %and3A = arith.andi %ge3A_24, %lt3A_27 : vector<524288xi1>
    %ge3A_28 = arith.constant 0 : i32
    %ge3A_29 = vector.broadcast %ge3A_28 : i32 to vector<524288xi32>
    %ge3A_30 = arith.cmpi sge, %convert_element_type3A_22, %ge3A_29 : vector<524288xi32>
    %and3A_31 = arith.andi %and3A, %ge3A_30 : vector<524288xi1>
    %lt3A_32 = arith.constant 2048 : i32
    %lt3A_33 = vector.broadcast %lt3A_32 : i32 to vector<524288xi32>
    %lt3A_34 = arith.cmpi slt, %convert_element_type3A_22, %lt3A_33 : vector<524288xi32>
    %and3A_35 = arith.andi %and3A_31, %lt3A_34 : vector<524288xi1>
    %mul3A_36 = arith.constant 2048 : i32
    %mul3A_37 = vector.broadcast %mul3A_36 : i32 to vector<524288xi32>
    %mul3A_38 = arith.muli %convert_element_type3A, %mul3A_37 : vector<524288xi32>
    %jit3A = arith.constant 0 : i32
    %broadcast_in_dim3A = vector.broadcast %jit3A : i32 to vector<524288xi32>
    %select_n3A_39 = arith.select %and3A_35, %convert_element_type3A_22, %broadcast_in_dim3A : vector<524288xi1>, vector<524288xi32>
    %add3A_40 = arith.addi %mul3A_38, %select_n3A_39 : vector<524288xi32>
    %jit3A_41 = arith.constant 4194304 : i32
    %broadcast_in_dim3A_42 = vector.broadcast %jit3A_41 : i32 to vector<524288xi32>
    %select_n3A_43 = arith.select %and3A_35, %add3A_40, %broadcast_in_dim3A_42 : vector<524288xi1>, vector<524288xi32>
    %swap3A = arith.constant 0 : index
    %swap3A_44 = vector.load %arg3[%swap3A] : memref<524288xi32, #tpu.memory_space<vmem>>, vector<524288xi32>
    tpu.vector_store %arg3[%swap3A], %select_n3A_43 {strides = array<i32>} : memref<524288xi32, #tpu.memory_space<vmem>>, vector<524288xi32>,
    %swap3A_45 = arith.constant 0 : index
    %swap3A_46 = vector.load %arg4[%swap3A_45] : memref<524288xi32, #tpu.memory_space<vmem>>, vector<524288xi32>
    %swap3A_47 = arith.extui %and3A_35 : vector<524288xi1> to vector<524288xi32>
    %swap3A_48 = arith.constant dense<0> : vector<524288xi32>
    %swap3A_49 = arith.cmpi ne, %swap3A_46, %swap3A_48 : vector<524288xi32>
    tpu.vector_store %arg4[%swap3A_45], %swap3A_47 {strides = array<i32>} : memref<524288xi32, #tpu.memory_space<vmem>>, vector<524288xi32>,
    return
  }
  func.func @transform_0(%arg0: i32) -> i32 {
    %c0_i32 = arith.constant 0 : i32
    return %arg0 : i32
  }
  func.func @transform_1(%arg0: i32) -> i32 {
    %c0_i32 = arith.constant 0 : i32
    return %arg0 : i32
  }
  func.func @transform_2(%arg0: i32) -> i32 {
    %c0_i32 = arith.constant 0 : i32
    return %arg0 : i32
  }
  func.func @transform_3(%arg0: i32) -> i32 {
    %c0_i32 = arith.constant 0 : i32
    return %arg0 : i32
  }
}

</mosaic_0001>

<sc_bundles>
// kernel: kernel.6.cloned.1.call-start
scs
__scs_entry_jumppad:
0x0: {  	(pc) =	sbr.rel $0x88, $3  }
0x1: {  	(tag) =	ssettag $0x0;
	lr =	simm.s32 $0x1  }
0x2: {  	[smem:$0x3F9F] =	sst lr;
	_ =	strace $0xD0000000  }
0x3: {  	_ = 	snop  }
0x4: {  	_ = 	snop  }
0x5: {  	_ = 	snop  }
0x6: {  	_ = 	snop  }
0x7: {  	_ = 	snop  }
__scs_overlays_trampoline_lowered:
0x8: {  	[smem:$0x3FAE] =	sst s0  }
0x9: {  	[smem:$0x3FAF] =	sst s1  }
0xa: {  	[smem:$0x3FB0] =	sst s2  }
0xb: {  	[smem:$0x3FB1] =	sst s3  }
0xc: {  	[smem:$0x3FB2] =	sst s4  }
0xd: {  	[smem:$0x3FB3] =	sst s5  }
0xe: {  	[smem:$0x3FB4] =	sst s6  }
0xf: {  	[smem:$0x3FB5] =	sst s7  }
0x10: {  	[smem:$0x3FB6] =	sst s8  }
0x11: {  	[smem:$0x3FB7] =	sst s9;
	s0 =	simm.s32 @!p0 $0x0  }
0x12: {  	s1 =	sld [smem:$0x3F9D];
	s0 =	simm.s32 @p0 $0x1  }
0x13: {  	[smem:$0x3FB8] =	sst s0;
	s0 =	simm.s32 @!p1 $0x0  }
0x14: {  	s2 =	sld [smem:$0x3F9C];
	s0 =	simm.s32 @p1 $0x1  }
0x15: {  	[smem:$0x3FB9] =	sst s0;
	s0 =	simm.s32 @!p2 $0x0  }
0x16: {  	s3 =	sld [smem:$0x3FDB];
	s0 =	simm.s32 @p2 $0x1  }
0x17: {  	s4 =	simm.s32 $0x1BF5;
	[smem:$0x3FBB] =	sst s0  }
0x18: {  	s0 =	sld [smem:$0x3F9E];
	_ =	swait.ge [sflag:s4], $0x0  }
0x19: {  	s7 =	sld [smem:$0x3F9F]  }
0x1a: {  	s8 =	sadd.s32 $0xFFFFE003, lr  }
0x1b: {  	s9 =	sadd.s32 $0xFFFFFEF7, lr;
	s5 =	simm.s32 $0xFFFFFFFF;
	p2 =	slt.u32 s8, $0xFFFFF086  }
0x1c: {  	p1 =	slt.u32 s9, $0xF7A;
	s5 =	simm.s32 @!p2 $0x0  }
0x1d: {  	s5 =	simm.s32 @p1 $0x1;
	p0 =	seq.s32 s7, s2  }
0x1e: {  	s7 =	smul.u32 @!p0 $0xF7A, s2;
	p2 =	seq.s32 @!p0 s5, $0x0  }
0x1f: {  	s9 =	smul.u32 $0xF7A, s1;
	s8 =	simm.s32 @!p0 $0x1BF5;
	p2 =	por !p2, p0  }
0x20: {  	[sflag:s8] =	ssyncset.s32 @!p0 $0xFFFFF086;
	s6 =	sadd.s32 @!p0 s3, s7;
	s7 =	simm.s32 @!p0 $0x108  }
0x21: {  	s3 =	sadd.s32 s3, s9;
	s6 =	sadd.s32 @!p0 $0x88, s6;
	s7 =	simm.s32 @p2 $0x1082  }
0x22: {  	[simem:s7], [sflag:s8] =	dma.local @!p0 [hbm:s6], $0xF7A  }
0x23: {  	s9 =	sor.u32 $0xD0000000, s2;
	s6 =	simm.s32 $0x108;
	_ =	swait.ge @!p0 [sflag:s8], $0x0  }
0x24: {  	s3 =	sadd.s32 $0x88, s3;
	s6 =	simm.s32 @!p1 $0x1082;
	[sflag:s4] =	ssyncset.s32 $0xFFFFF086  }
0x25: {  	[simem:s6], [sflag:s4] =	dma.local [hbm:s3], $0xF7A  }
0x26: {  	[smem:$0x3F9F] =	sst s1;
	(tag) =	ssettag s2;
	_ =	strace s9  }
0x27: {  	s1 =	sld [smem:$0x3FAF]  }
0x28: {  	s2 =	sld [smem:$0x3FB0]  }
0x29: {  	s4 =	sld [smem:$0x3FB2]  }
0x2a: {  	p0 =	seq.s32 s5, $0x0;
	s5 =	sld [smem:$0x3FB3]  }
0x2b: {  	s6 =	sld [smem:$0x3FB4]  }
0x2c: {  	s7 =	sld [smem:$0x3FB5]  }
0x2d: {  	s3 =	simm.s32 $0x108;
	s8 =	sld [smem:$0x3FB6]  }
0x2e: {  	s3 =	simm.s32 @!p0 $0x1082;
	s9 =	sld [smem:$0x3FB7]  }
0x2f: {  	lr =	sadd.s32 s0, s3;
	s0 =	sld [smem:$0x3FAE]  }
0x30: {  	s3 =	sld [smem:$0x3FB1]  }
0x31: {  	[smem:$0x3FBA] =	sst s10  }
0x32: {  	s10 =	sld [smem:$0x3FB8];
	_ =	sdelay $0x3  }
0x33: {  	p0 =	seq.s32 s10, $0x1;
	s10 =	sld [smem:$0x3FBA];
	_ =	sdelay $0x3  }
0x34: {  	[smem:$0x3FBA] =	sst s10  }
0x35: {  	s10 =	sld [smem:$0x3FB9];
	_ =	sdelay $0x3  }
0x36: {  	p1 =	seq.s32 s10, $0x1;
	s10 =	sld [smem:$0x3FBA];
	_ =	sdelay $0x3  }
0x37: {  	[smem:$0x3FBA] =	sst s10  }
0x38: {  	s10 =	sld [smem:$0x3FBB]  }
0x39: {  	_ = 	snop;
	(pc) =	sbr.ind lr, $3  }
0x3a: {  	_ = 	snop  }
0x3b: {  	_ = 	snop  }
0x3c: {  	p2 =	seq.s32 s10, $0x1;
	s10 =	sld [smem:$0x3FBA]  }
0x3d: {  	_ =	shalt  }
0x3e: {  	_ =	shalt  }
0x3f: {  	_ =	shalt  }
0x40: {  	_ =	shalt  }
0x41: {  	_ =	shalt  }
0x42: {  	_ =	shalt  }
0x43: {  	_ =	shalt  }
0x44: {  	_ =	shalt  }
0x45: {  	_ =	shalt  }
0x46: {  	_ =	shalt  }
0x47: {  	_ =	shalt  }
0x48: {  	_ =	shalt  }
0x49: {  	_ =	shalt  }
0x4a: {  	_ =	shalt  }
0x4b: {  	_ =	shalt  }
0x4c: {  	_ =	shalt  }
0x4d: {  	_ =	shalt  }
0x4e: {  	_ =	shalt  }
0x4f: {  	_ =	shalt  }
0x50: {  	_ =	shalt  }
0x51: {  	_ =	shalt  }
0x52: {  	_ =	shalt  }
0x53: {  	_ =	shalt  }
0x54: {  	_ =	shalt  }
0x55: {  	_ =	shalt  }
0x56: {  	_ =	shalt  }
0x57: {  	_ =	shalt  }
0x58: {  	_ =	shalt  }
0x59: {  	_ =	shalt  }
0x5a: {  	_ =	shalt  }
0x5b: {  	_ =	shalt  }
0x5c: {  	_ =	shalt  }
0x5d: {  	_ =	shalt  }
0x5e: {  	_ =	shalt  }
0x5f: {  	_ =	shalt  }
0x60: {  	_ =	shalt  }
0x61: {  	_ =	shalt  }
0x62: {  	_ =	shalt  }
0x63: {  	_ =	shalt  }
0x64: {  	_ =	shalt  }
0x65: {  	_ =	shalt  }
0x66: {  	_ =	shalt  }
0x67: {  	_ =	shalt  }
0x68: {  	_ =	shalt  }
0x69: {  	_ =	shalt  }
0x6a: {  	_ =	shalt  }
0x6b: {  	_ =	shalt  }
0x6c: {  	_ =	shalt  }
0x6d: {  	_ =	shalt  }
0x6e: {  	_ =	shalt  }
0x6f: {  	_ =	shalt  }
0x70: {  	_ =	shalt  }
0x71: {  	_ =	shalt  }
0x72: {  	_ =	shalt  }
0x73: {  	_ =	shalt  }
0x74: {  	_ =	shalt  }
0x75: {  	_ =	shalt  }
0x76: {  	_ =	shalt  }
0x77: {  	_ =	shalt  }
0x78: {  	_ =	shalt  }
0x79: {  	_ =	shalt  }
0x7a: {  	_ =	shalt  }
0x7b: {  	_ =	shalt  }
0x7c: {  	_ =	shalt  }
0x7d: {  	_ =	shalt  }
0x7e: {  	_ =	shalt  }
0x7f: {  	_ =	shalt  }
0x80: {  	_ =	shalt  }
0x81: {  	_ =	shalt  }
0x82: {  	_ =	shalt  }
0x83: {  	_ =	shalt  }
0x84: {  	_ =	shalt  }
0x85: {  	_ =	shalt  }
0x86: {  	_ =	shalt  }
0x87: {  	_ =	shalt  }
.Lfunc_end0:
.L_simem_size_0:
called_computation_lowered:
.L_overlay_start_0:
0x88: {  	s2 =	sld [smem:$0x3FD9]  }
0x89: {  	s3 =	sld [smem:$0x3FFE];
	_ =	sdelay $0x1  }
0x8a: {  	s1 =	srdreg.scid  }
0x8b: {  	s0 =	sand.u32 $0x1, s1  }
0x8c: {  	s14 =	sshll.u32 s0, $0xA;
	s2 =	sadd.s32 s3, s2  }
0x8d: {  	s2 =	sadd.s32 s2, s14  }
0x8e: {  	[smem:$0x3FC6] =	sst s2  }
0x8f: {  	_ = 	snop  }
0x90: {  	s2 =	sld [smem:$0x3FD0];
	_ =	sdelay $0x2  }
0x91: {  	s15 =	simm.s32 $0xA;
	s4 =	simm.s32 $0x10  }
0x92: {  	[smem:s4], [sflag:s15] =	dma.local [hbm:s2], $0x1  }
0x93: {  	_ =	swait.eq [sflag:s15], $0x1  }
0x94: {  	[sflag:s15] =	ssyncset.done $0x0  }
0x95: {  	[sflag:s15] =	ssyncadd.s32 $0xFFFFFFFF  }
0x96: {  	s16 =	sld [smem:$0x10];
	(tm) =	ssettm $0x1  }
0x97: {  	s17 =	sld [smem:$0x3FFB];
	_ =	sdelay $0x3  }
0x98: {  	_ =	strace s17  }
0x99: {  	s3 =	sld [smem:$0x3FFC];
	_ =	sdelay $0x3  }
0x9a: {  	_ =	strace s3  }
0x9b: {  	s3 =	sld [smem:$0x3FFD];
	_ =	sdelay $0x3  }
0x9c: {  	_ =	strace s3  }
0x9d: {  	_ =	strace $0x8FFFFFFF  }
0x9e: {  	s18 =	sld [smem:$0x3FDB];
	_ =	sdelay $0x1  }
0x9f: {  	s19 =	simm.s32 $_scs_section_size  }
0xa0: {  	s5 =	simm.s32 $_size__tile_overlayer_lowered;
	s6 =	simm.s32 $_tile_overlayer_lowered  }
0xa1: {  	s22 =	simm.s32 $0x1BFF;
	s21 =	sshll.u32 s6, $0x1;
	s3 =	sadd.s32 s19, s18  }
0xa2: {  	s7 =	simm.s32 $0x0;
	s20 =	sshll.u32 s5, $0x1;
	s5 =	sadd.s32 s21, s3  }
0xa3: {  	[timem:s7], [sflag:s22] =	dma.local [hbm:s5], s20  }
0xa4: {  	_ =	swait.ge [sflag:s22], s20  }
0xa5: {  	s4 =	ssub.s32 $0x0, s20;
	[sflag:s22] =	ssyncset.done $0x0  }
0xa6: {  	[sflag:s22] =	ssyncadd.s32 s4;
	_ =	sdelay $0x1  }
0xa7: {  	s23 =	simm.s32 $0x1B8B  }
0xa8: {  	_ =	swait.ge [sflag:s23], $0x1  }
0xa9: {  	[sflag:s23] =	ssyncset.done $0x0  }
0xaa: {  	s25 =	simm.s32 $0x1B8E;
	s24 =	sld [smem:$0x3FFE];
	[sflag:s23] =	ssyncadd.s32 $0xFFFFFFFF  }
0xab: {  	s26 =	simm.s32 $execute0_lowered;
	[smem:$0x3FD2] =	sst s25  }
0xac: {  	s5 =	sshll.u32 s26, $0x1;
	_ =	strace $0x80000046;
	[dreg:$0x1] =	wrdreg $0xFFFFFFFF  }
0xad: {  	s28 =	simm.s32 $_size_execute0_lowered;
	s3 =	sadd.s32 s3, s5;
	[dreg:$0x0] =	wrdreg $0x0  }
0xae: {  	s5 =	sshll.u32 s28, $0x1;
	[dreg:$0x2] =	wrdreg s3  }
0xaf: {  	[dreg:$0x3] =	wrdreg s5  }
0xb0: {  	[dreg:$0x4] =	wrdreg $0xC0  }
0xb1: {  	_ =	task [dreg:s7], $0x5FFFF  }
0xb2: {  	[dreg:$0x1] =	wrdreg $0xFFFFFFFF  }
0xb3: {  	[dreg:$0x0] =	wrdreg $0x60  }
0xb4: {  	[dreg:$0x2] =	wrdreg s24  }
0xb5: {  	[dreg:$0x3] =	wrdreg s16  }
0xb6: {  	[dreg:$0x4] =	wrdreg $0x0  }
0xb7: {  	[dreg:$0x5] =	wrdreg $0x9  }
0xb8: {  	_ =	task.clear_ibuf [dreg:s7], $0x6FFFF;
	_ =	strace $0x90000046  }
0xb9: {  	s29 =	simm.s32 $0x9;
	_ =	strace $0x80000048  }
0xba: {  	_ =	swait.ge [sflag:s29], $0x1  }
0xbb: {  	[sflag:s29] =	ssyncadd.s32 $0xFFFFFFFF  }
0xbc: {  	_ =	strace $0x90000048  }
0xbd: {  	_ =	sfence  }
0xbe: {  	s30 =	sld [smem:$0x0];
	_ =	sdelay $0x2  }
0xbf: {  	s31 =	sshll.u32 s1, $0xD;
	s1 =	sshrl.u32 s1, $0x2  }
0xc0: {  	s3 =	sand.u32 $0x4000, s31;
	s1 =	sadd.s32 s1, s30  }
0xc1: {  	s0 =	sor.u32 s3, s0;
	s1 =	sshll.u32 s1, $0x11  }
0xc2: {  	s0 =	sor.u32 s1, s0  }
0xc3: {  	s0 =	sadd.s32 $0x8F2B, s0  }
0xc4: {  	[sflag:s0] =	ssyncadd.remote.s32 $0x1  }
0xc5: {  	_ =	sfence.sel $0xFFFF  }
0xc6: {  	[dreg:$0x0] =	wrdreg $0xFFFFFFFF;
	(pc) =	sbr.abs _section_cstart, $3  }
0xc7: {  	[dreg:$0x1] =	wrdreg $0xFFFFFFFF  }
0xc8: {  	_ =	task.clear_ibuf [dreg:s7], $0x2FFFF;
	_ =	strace $0x9FFFFFFF  }
0xc9: {  	(tm) =	ssettm $0x7FFFFFFF  }
tec
execute0_lowered:
.L_overlay_start_1:
0x0: {  	(tag) =	ssettag $0x1  }
0x1: {  	s0 =	rddreg [dreg:$0x0]  }
0x2: {  	s1 =	rddreg [dreg:$0x1]  }
0x3: {  	s2 =	rddreg [dreg:$0x2];
	s9 =	stileid.u32  }
0x4: {  	s3 =	simm.s32 $0x0;
	s4 =	srdreg.scid;
	s30 =	simm.s32 $0x14080  }
0x5: {  	s31 =	simm.s32 $0x5;
	s5 =	smul.u32 $0x40200, s9;
	[smem:$0x7FF] =	sst s3  }
0x6: {  	s6 =	sand.u32 $0x1, s4;
	s4 =	sadd.s32 $0x81C00, s0;
	s19 =	sshll.u32 s9, $0x10  }
0x7: {  	s20 =	sshll.u32 s9, $0x7;
	s21 =	sshll.u32 s9, $0xF;
	s9 =	sshll.u32 s9, $0x12  }
0x8: {  	_ =	strace $0x80000047;
	s22 =	sadd.s32 s19, s2;
	s5 =	sshrl.u32 s5, $0x2  }
0x9: {  	s7 =	ssub.s32 $0x2, s6;
	s23 =	sshrl.u32 s22, $0x3;
	s5 =	sadd.s32 s5, s2  }
0xa: {  	s10 =	sshll.u32 s6, $0x15;
	[dreg:$0x12] =	wrdreg s23;
	s25 =	sadd.s32 $0x1000, s5  }
0xb: {  	s6 =	sshll.u32 s6, $0x14;
	s26 =	sadd.s32 $0x2000, s5;
	[dreg:$0x4] =	wrdreg s25  }
0xc: {  	s24 =	sshrl.u32 s7, $0x1;
	s8 =	sadd.s32 $0x3000, s5;
	[dreg:$0x5] =	wrdreg s26  }
0xd: {  	s6 =	sor.u32 s19, s6;
	s11 =	sadd.s32 $0x4000, s5;
	[dreg:$0x6] =	wrdreg s8  }
0xe: {  	v0 =	vmov s10;
	s10 =	simm.s32 $0x4;
	s12 =	sadd.s32 $0x5000, s5;
	[dreg:$0x7] =	wrdreg s11  }
0xf: {  	s0 =	ssub.s32 s7, s24;
	s13 =	sadd.s32 $0x6000, s5;
	[dreg:$0x8] =	wrdreg s12  }
0x10: {  	s6 =	sshrl.u32 s6, $0x3;
	s14 =	sadd.s32 $0x7000, s5;
	[dreg:$0x9] =	wrdreg s13  }
0x11: {  	s7 =	simm.s32 $0x1000;
	s15 =	sadd.s32 $0x8000, s5;
	[dreg:$0xa] =	wrdreg s14  }
0x12: {  	s16 =	sadd.s32 $0x9000, s5;
	s17 =	sadd.s32 $0xA000, s5;
	[dreg:$0xb] =	wrdreg s15  }
0x13: {  	s18 =	sadd.s32 $0xB000, s5;
	s1 =	sadd.s32 s1, s6;
	[dreg:$0xc] =	wrdreg s16  }
0x14: {  	s0 =	smax.u32 s0, $0x1;
	s24 =	sadd.s32 $0xD000, s5;
	[dreg:$0xd] =	wrdreg s17  }
0x15: {  	s28 =	sadd.s32 $0x10000, s5;
	s6 =	simm.s32 $0x1;
	[dreg:$0xe] =	wrdreg s18  }
0x16: {  	s8 =	sadd.s32 $0xC000, s5;
	s11 =	sor.u32 $0x100000, s20;
	[dreg:$0x10] =	wrdreg s1  }
0x17: {  	s18 =	sadd.s32 s4, s21;
	s20 =	sor.u32 $0x2000, s9;
	[dreg:$0x11] =	wrdreg s0  }
0x18: {  	s21 =	sor.u32 $0x3000, s9;
	[dreg:$0x13] =	wrdreg s24;
	s25 =	sadd.s32 $0xE000, s5  }
.Ltmp0:
0x19: {  	s26 =	sadd.s32 $0xF000, s5;
	s0 =	simm.s32 $0x10080;
	(pc) =	sbr.rel .LBB2_1-.Ltmp0, $4  }
0x1a: {  	s1 =	simm.s32 $0x11080;
	s9 =	simm.s32 $0x2;
	[dreg:$0xf] =	wrdreg s8  }
0x1b: {  	s12 =	simm.s32 $0x15080;
	s13 =	simm.s32 $0x3;
	[dreg:$0x14] =	wrdreg s25  }
0x1c: {  	v2 =	vimm.f32 $0.0e+00;
	s14 =	simm.s32 $0x6;
	s15 =	simm.s32 $0x0;
	[dreg:$0x15] =	wrdreg s26  }
0x1d: {  	v3 =	vlaneseq.u32;
	v4 =	vimm.f32 $1.000000000e+00;
	s29 =	sadd.s32 $0x200, s18;
	s8 =	simm.s32 $0x12080;
	v1 =	vmov s11;
	s11 =	simm.s32 $0x13080  }
.LBB2_14:
0x1e: {  	_ =	swait.ge [sflag:s13], $0x1000  }
0x1f: {  	[sflag:s13] =	ssyncset.done $0x0  }
0x20: {  	[sflag:s13] =	ssyncadd.s32 $0xFFFFF000  }
0x21: {  	_ =	swait.ge [sflag:s10], $0x1000  }
0x22: {  	[sflag:s10] =	ssyncset.done $0x0  }
0x23: {  	[sflag:s10] =	ssyncadd.s32 $0xFFFFF000  }
0x24: {  	s16 =	stileid.u32;
	[bflag:$0x0] =	sbarrier.arrive $0xFFFF  }
0x25: {  	s16 =	sshll.u32 s16, $0x6;
	s17 =	rddreg [dreg:$0x10]  }
0x26: {  	s16 =	sor.u32 $0x1C06, s16;
	s19 =	rddreg [dreg:$0x12]  }
0x27: {  	[hbm:s17], [sflag:s16] =	dma.local [spmem:s19], $0x2000  }
0x28: {  	_ =	swait.ge [sflag:s14], $0x2000  }
0x29: {  	s15 =	sadd.s32 $0x1, s15;
	s26 =	rddreg [dreg:$0x11]  }
0x2a: {  	p0 =	sne.s32 s15, s26  }
.Ltmp1:
0x2b: {  	_ = 	snop;
	(pc) =	sbr.rel @!p0 .LBB2_15-.Ltmp1, $3  }
0x2c: {  	_ =	sdelay $0x1  }
0x2d: {  	[sflag:s14] =	ssyncset.done $0x0  }
0x2e: {  	[sflag:s14] =	ssyncadd.s32 $0xFFFFE000  }
.LBB2_1:
0x2f: {  	s16 =	simm.s32 $0x40;
	s17 =	simm.s32 $0x0  }
.LBB2_2:
0x30: {  	p0 =	sne.s32 s16, $0x3FC0;
	[tilespmem:s17+$0x14080] =	vst v2;
	s17 =	smov.u32 s16;
	s16 =	sadd.s32 $0x40, s16  }
.Ltmp2:
0x31: {  	(pc) =	sbr.rel @p0 .LBB2_2-.Ltmp2, $2  }
0x32: {  	_ =	sdelay $0x2  }
0x33: {  	s17 =	sshra.s32 s17, $0x2  }
0x34: {  	[tilespmem:s17+$0x14080] =	vst v2  }
0x35: {  	[spmem:s5] =	stream.linear.scatter [tilespmem:s30], [sflag:$0x5], $0x1000, $0x38;
	[tilespmem:$0x16080] =	vst v63  }
0x36: {  	s16 =	rddreg [dreg:$0x4]  }
0x37: {  	[spmem:s16] =	stream.linear.scatter [tilespmem:s30], [sflag:$0x5], $0x1000, $0x38;
	[tilespmem:$0x16080] =	vst v63  }
0x38: {  	s17 =	rddreg [dreg:$0x5]  }
0x39: {  	[spmem:s17] =	stream.linear.scatter [tilespmem:s30], [sflag:$0x5], $0x1000, $0x38;
	[tilespmem:$0x16080] =	vst v63  }
0x3a: {  	s19 =	rddreg [dreg:$0x6]  }
0x3b: {  	[spmem:s19] =	stream.linear.scatter [tilespmem:s30], [sflag:$0x5], $0x1000, $0x38;
	[tilespmem:$0x16080] =	vst v63  }
0x3c: {  	s22 =	rddreg [dreg:$0x7]  }
0x3d: {  	[spmem:s22] =	stream.linear.scatter [tilespmem:s30], [sflag:$0x5], $0x1000, $0x38;
	[tilespmem:$0x16080] =	vst v63  }
0x3e: {  	s23 =	rddreg [dreg:$0x8]  }
0x3f: {  	[spmem:s23] =	stream.linear.scatter [tilespmem:s30], [sflag:$0x5], $0x1000, $0x38;
	[tilespmem:$0x16080] =	vst v63  }
0x40: {  	s24 =	rddreg [dreg:$0x9]  }
0x41: {  	[spmem:s24] =	stream.linear.scatter [tilespmem:s30], [sflag:$0x5], $0x1000, $0x38;
	[tilespmem:$0x16080] =	vst v63  }
0x42: {  	s25 =	rddreg [dreg:$0xa]  }
0x43: {  	[spmem:s25] =	stream.linear.scatter [tilespmem:s30], [sflag:$0x5], $0x1000, $0x38;
	[tilespmem:$0x16080] =	vst v63  }
0x44: {  	s26 =	rddreg [dreg:$0xb]  }
0x45: {  	[spmem:s26] =	stream.linear.scatter [tilespmem:s30], [sflag:$0x5], $0x1000, $0x38;
	[tilespmem:$0x16080] =	vst v63  }
0x46: {  	s17 =	rddreg [dreg:$0xc]  }
0x47: {  	[spmem:s17] =	stream.linear.scatter [tilespmem:s30], [sflag:$0x5], $0x1000, $0x38;
	[tilespmem:$0x16080] =	vst v63  }
0x48: {  	s19 =	rddreg [dreg:$0xd]  }
0x49: {  	[spmem:s19] =	stream.linear.scatter [tilespmem:s30], [sflag:$0x5], $0x1000, $0x38;
	[tilespmem:$0x16080] =	vst v63  }
0x4a: {  	s22 =	rddreg [dreg:$0xe]  }
0x4b: {  	[spmem:s22] =	stream.linear.scatter [tilespmem:s30], [sflag:$0x5], $0x1000, $0x38;
	[tilespmem:$0x16080] =	vst v63  }
0x4c: {  	s23 =	rddreg [dreg:$0xf]  }
0x4d: {  	[spmem:s23] =	stream.linear.scatter [tilespmem:s30], [sflag:$0x5], $0x1000, $0x38;
	[tilespmem:$0x16080] =	vst v63  }
0x4e: {  	s24 =	rddreg [dreg:$0x13]  }
0x4f: {  	[spmem:s24] =	stream.linear.scatter [tilespmem:s30], [sflag:$0x5], $0x1000, $0x38;
	[tilespmem:$0x16080] =	vst v63  }
0x50: {  	s25 =	rddreg [dreg:$0x14]  }
0x51: {  	[spmem:s25] =	stream.linear.scatter [tilespmem:s30], [sflag:$0x5], $0x1000, $0x38;
	[tilespmem:$0x16080] =	vst v63  }
0x52: {  	s26 =	rddreg [dreg:$0x15]  }
0x53: {  	[spmem:s26] =	stream.linear.scatter [tilespmem:s30], [sflag:$0x5], $0x1000, $0x38;
	[tilespmem:$0x16080] =	vst v63  }
0x54: {  	_ = 	snop  }
0x55: {  	[spmem:s28] =	stream.linear.scatter [tilespmem:s30], [sflag:$0x5], $0x80, $0x38;
	[tilespmem:$0x16080] =	vst v63  }
0x56: {  	_ =	swait.ge [sflag:s31], $0x1000  }
0x57: {  	[sflag:s31] =	ssyncset.done $0x0  }
0x58: {  	[sflag:s31] =	ssyncadd.s32 $0xFFFFF000  }
0x59: {  	_ =	swait.ge [sflag:s31], $0x1000  }
0x5a: {  	[sflag:s31] =	ssyncset.done $0x0  }
0x5b: {  	[sflag:s31] =	ssyncadd.s32 $0xFFFFF000  }
0x5c: {  	_ =	swait.ge [sflag:s31], $0x1000  }
0x5d: {  	[sflag:s31] =	ssyncset.done $0x0  }
0x5e: {  	[sflag:s31] =	ssyncadd.s32 $0xFFFFF000  }
0x5f: {  	_ =	swait.ge [sflag:s31], $0x1000  }
0x60: {  	[sflag:s31] =	ssyncset.done $0x0  }
0x61: {  	[sflag:s31] =	ssyncadd.s32 $0xFFFFF000  }
0x62: {  	_ =	swait.ge [sflag:s31], $0x1000  }
0x63: {  	[sflag:s31] =	ssyncset.done $0x0  }
0x64: {  	[sflag:s31] =	ssyncadd.s32 $0xFFFFF000  }
0x65: {  	_ =	swait.ge [sflag:s31], $0x1000  }
0x66: {  	[sflag:s31] =	ssyncset.done $0x0  }
0x67: {  	[sflag:s31] =	ssyncadd.s32 $0xFFFFF000  }
0x68: {  	_ =	swait.ge [sflag:s31], $0x1000  }
0x69: {  	[sflag:s31] =	ssyncset.done $0x0  }
0x6a: {  	[sflag:s31] =	ssyncadd.s32 $0xFFFFF000  }
0x6b: {  	_ =	swait.ge [sflag:s31], $0x1000  }
0x6c: {  	[sflag:s31] =	ssyncset.done $0x0  }
0x6d: {  	[sflag:s31] =	ssyncadd.s32 $0xFFFFF000  }
0x6e: {  	_ =	swait.ge [sflag:s31], $0x1000  }
0x6f: {  	[sflag:s31] =	ssyncset.done $0x0  }
0x70: {  	[sflag:s31] =	ssyncadd.s32 $0xFFFFF000  }
0x71: {  	_ =	swait.ge [sflag:s31], $0x1000  }
0x72: {  	[sflag:s31] =	ssyncset.done $0x0  }
0x73: {  	[sflag:s31] =	ssyncadd.s32 $0xFFFFF000  }
0x74: {  	_ =	swait.ge [sflag:s31], $0x1000  }
0x75: {  	[sflag:s31] =	ssyncset.done $0x0  }
0x76: {  	[sflag:s31] =	ssyncadd.s32 $0xFFFFF000  }
0x77: {  	_ =	swait.ge [sflag:s31], $0x1000  }
0x78: {  	[sflag:s31] =	ssyncset.done $0x0  }
0x79: {  	[sflag:s31] =	ssyncadd.s32 $0xFFFFF000  }
0x7a: {  	_ =	swait.ge [sflag:s31], $0x1000  }
0x7b: {  	[sflag:s31] =	ssyncset.done $0x0  }
0x7c: {  	[sflag:s31] =	ssyncadd.s32 $0xFFFFF000  }
0x7d: {  	_ =	swait.ge [sflag:s31], $0x1000  }
0x7e: {  	[sflag:s31] =	ssyncset.done $0x0  }
0x7f: {  	[sflag:s31] =	ssyncadd.s32 $0xFFFFF000  }
0x80: {  	_ =	swait.ge [sflag:s31], $0x1000  }
0x81: {  	[sflag:s31] =	ssyncset.done $0x0  }
0x82: {  	[sflag:s31] =	ssyncadd.s32 $0xFFFFF000  }
0x83: {  	_ =	swait.ge [sflag:s31], $0x1000  }
0x84: {  	[sflag:s31] =	ssyncset.done $0x0  }
0x85: {  	[sflag:s31] =	ssyncadd.s32 $0xFFFFF000  }
0x86: {  	_ =	swait.ge [sflag:s31], $0x80  }
0x87: {  	[sflag:s31] =	ssyncset.done $0x0  }
0x88: {  	[sflag:s31] =	ssyncadd.s32 $0xFFFFFF80  }
0x89: {  	s16 =	simm.s32 $0x0;
	[bflag:$0x0] =	sbarrier.arrive $0xFFFF  }
0x8a: {  	[tilespmem:s0], [sflag:$0x1] =	stream.linear.gather [hbm4b:s18+s16], $0x1000, $0x38;
	[tilespmem:$0x16080] =	vst v63  }
0x8b: {  	s17 =	simm.s32 $0x0  }
0x8c: {  	[tilespmem:s1], [sflag:$0x2] =	stream.linear.gather [hbm4b:s29+s16], $0x1000, $0x38;
	[tilespmem:$0x16080] =	vst v63  }
.LBB2_4:
0x8d: {  	_ =	swait.ge [sflag:s6], $0x1000  }
0x8e: {  	p0 =	seq.s32 s17, $0x0;
	[sflag:s6] =	ssyncset.done $0x0  }
0x8f: {  	s19 =	simm.s32 @!p0 $0x3;
	[sflag:s6] =	ssyncadd.s32 $0xFFFFF000  }
0x90: {  	_ =	swait.ge @!p0 [sflag:s19], $0x1000  }
0x91: {  	[sflag:s19] =	ssyncset.done @!p0 $0x0  }
0x92: {  	s22 =	simm.s32 $0x10080;
	[sflag:s19] =	ssyncadd.s32 @!p0 $0xFFFFF000  }
0x93: {  	v5 =	vld [tilespmem:s22+$0x0];
	_ =	sdelay $0x2  }
0x94: {  	v6 =	vor.u32 s16, v3  }
0x95: {  	v6 =	vand.u32 $0x7F, v6  }
0x96: {  	v6 =	vor.u32 v1, v6;
	v7 =	vsub.s32 v5, v0  }
0x97: {  	v5 =	vand.u32 $0xFFFFF, v5;
	vm0 =	vlt.u32 v7, $0x200000;
	vm1 =	vgt.s32 v7, $0xFFFFF  }
0x98: {  	s23 =	simm.s32 $0x12080;
	v5 =	vsel vm0, v5, v6;
	v6 =	vsel vm1, $0x45800000, v4  }
0x99: {  	s24 =	simm.s32 $0x14080;
	s25 =	simm.s32 $0x10;
	s19 =	sshll.u32 s17, $0xD;
	[tilespmem:s23+$0x0] =	vst v5;
	v5 =	vnsel vm0, $0x0, v6  }
.LBB2_5:
0x9a: {  	[tilespmem:s24+$0x0] =	vst v5;
	s22 =	sadd.s32 $0x10, s22;
	s23 =	sadd.s32 $0x10, s23;
	s24 =	sadd.s32 $0x10, s24  }
0x9b: {  	p1 =	sne.s32 s25, $0xFF0;
	s26 =	smov.u32 s25;
	s25 =	sadd.s32 $0x10, s25;
	v5 =	vld [tilespmem:s22+$0x0]  }
0x9c: {  	_ =	sdelay $0x2  }
.Ltmp3:
0x9d: {  	v6 =	vor.u32 s26, v3;
	(pc) =	sbr.rel @p1 .LBB2_5-.Ltmp3, $4  }
0x9e: {  	v6 =	vand.u32 $0x7F, v6;
	v7 =	vsub.s32 v5, v0;
	v5 =	vand.u32 $0xFFFFF, v5  }
0x9f: {  	v6 =	vor.u32 v1, v6;
	vm0 =	vlt.u32 v7, $0x200000;
	vm1 =	vgt.s32 v7, $0xFFFFF  }
0xa0: {  	v5 =	vsel vm0, v5, v6;
	v6 =	vsel vm1, $0x45800000, v4  }
0xa1: {  	[tilespmem:s23+$0x0] =	vst v5;
	v5 =	vnsel vm0, $0x0, v6  }
0xa2: {  	p1 =	sne.s32 s17, $0x1F  }
.Ltmp4:
0xa3: {  	_ = 	snop;
	(pc) =	sbr.rel @p1 .LBB2_8-.Ltmp4, $3  }
0xa4: {  	_ =	sdelay $0x1  }
0xa5: {  	[tilespmem:s24+$0x0] =	vst v5  }
0xa6: {  	[spmem:s2] =	stream.indirect.scatter.add.f32 [tilespmem:s30], [sflag:$0x3], $0x1, s8, s7, $0xb8;
	[tilespmem:$0x16080] =	vst v63  }
.Ltmp5:
0xa7: {  	(pc) =	sbr.rel .LBB2_9-.Ltmp5, $4  }
0xa8: {  	_ = 	snop  }
0xa9: {  	_ =	swait.ge [sflag:s9], $0x1000  }
0xaa: {  	[sflag:s9] =	ssyncset.done $0x0  }
0xab: {  	[sflag:s9] =	ssyncadd.s32 $0xFFFFF000  }
.LBB2_8:
0xac: {  	s22 =	sadd.s32 s19, s20  }
0xad: {  	s22 =	sshrl.u32 s22, $0x3  }
.Ltmp6:
0xae: {  	s22 =	sadd.s32 s4, s22;
	(pc) =	sbr.rel @p0 .LBB2_10-.Ltmp6, $4  }
0xaf: {  	[tilespmem:s0], [sflag:$0x1] =	stream.linear.gather [hbm4b:s22+s3], $0x1000, $0x38;
	[tilespmem:$0x16080] =	vst v63  }
0xb0: {  	_ =	swait.ge [sflag:s9], $0x1000  }
0xb1: {  	[sflag:s9] =	ssyncset.done $0x0  }
0xb2: {  	[sflag:s9] =	ssyncadd.s32 $0xFFFFF000  }
.LBB2_9:
0xb3: {  	_ =	swait.ge [sflag:s10], $0x1000  }
0xb4: {  	[sflag:s10] =	ssyncset.done $0x0  }
0xb5: {  	[sflag:s10] =	ssyncadd.s32 $0xFFFFF000  }
.LBB2_10:
0xb6: {  	s22 =	simm.s32 $0x11080  }
0xb7: {  	v5 =	vld [tilespmem:s22+$0x0];
	_ =	sdelay $0x1  }
0xb8: {  	s23 =	simm.s32 $0x0  }
0xb9: {  	v6 =	vor.u32 s23, v3  }
0xba: {  	v6 =	vand.u32 $0x7F, v6  }
0xbb: {  	v6 =	vor.u32 v1, v6;
	v7 =	vsub.s32 v5, v0  }
0xbc: {  	v5 =	vand.u32 $0xFFFFF, v5;
	vm0 =	vlt.u32 v7, $0x200000;
	vm1 =	vgt.s32 v7, $0xFFFFF  }
0xbd: {  	s23 =	simm.s32 $0x13080;
	v5 =	vsel vm0, v5, v6;
	v6 =	vsel vm1, $0x45800000, v4  }
0xbe: {  	s24 =	simm.s32 $0x15080;
	s25 =	simm.s32 $0x10;
	[tilespmem:s23+$0x0] =	vst v5;
	v5 =	vnsel vm0, $0x0, v6  }
.LBB2_11:
0xbf: {  	[tilespmem:s24+$0x0] =	vst v5;
	s22 =	sadd.s32 $0x10, s22;
	s23 =	sadd.s32 $0x10, s23;
	s24 =	sadd.s32 $0x10, s24  }
0xc0: {  	p0 =	sne.s32 s25, $0xFF0;
	s26 =	smov.u32 s25;
	s25 =	sadd.s32 $0x10, s25;
	v5 =	vld [tilespmem:s22+$0x0]  }
0xc1: {  	_ =	sdelay $0x2  }
.Ltmp7:
0xc2: {  	v6 =	vor.u32 s26, v3;
	(pc) =	sbr.rel @p0 .LBB2_11-.Ltmp7, $4  }
0xc3: {  	v6 =	vand.u32 $0x7F, v6;
	v7 =	vsub.s32 v5, v0;
	v5 =	vand.u32 $0xFFFFF, v5  }
0xc4: {  	v6 =	vor.u32 v1, v6;
	vm0 =	vlt.u32 v7, $0x200000;
	vm1 =	vgt.s32 v7, $0xFFFFF  }
0xc5: {  	v5 =	vsel vm0, v5, v6;
	v6 =	vsel vm1, $0x45800000, v4  }
0xc6: {  	[tilespmem:s23+$0x0] =	vst v5;
	v5 =	vnsel vm0, $0x0, v6  }
0xc7: {  	p0 =	seq.s32 s17, $0x1F  }
.Ltmp8:
0xc8: {  	_ = 	snop;
	(pc) =	sbr.rel @p0 .LBB2_14-.Ltmp8, $3  }
0xc9: {  	_ =	sdelay $0x1  }
0xca: {  	[tilespmem:s24+$0x0] =	vst v5  }
0xcb: {  	[spmem:s2] =	stream.indirect.scatter.add.f32 [tilespmem:s12], [sflag:$0x4], $0x1, s11, s7, $0xb8;
	[tilespmem:$0x16080] =	vst v63  }
.Ltmp9:
0xcc: {  	(pc) =	sbr.rel .LBB2_4-.Ltmp9, $4  }
0xcd: {  	s19 =	sadd.s32 s19, s21  }
0xce: {  	s19 =	sshrl.u32 s19, $0x3  }
0xcf: {  	s17 =	sadd.s32 $0x1, s17;
	s19 =	sadd.s32 s4, s19  }
0xd0: {  	[tilespmem:s1], [sflag:$0x2] =	stream.linear.gather [hbm4b:s19+s3], $0x1000, $0x38;
	[tilespmem:$0x16080] =	vst v63  }
.LBB2_15:
0xd1: {  	_ =	sfence.sel $0x180000  }
0xd2: {  	[bflag:$0x0] =	sbarrier.arrive $0xFFFF  }
0xd3: {  	_ =	strace $0x90000047  }
0xd4: {  	s0 =	stileid.u32;
	[bflag:$0x2] =	sbarrier.arrive $0xFFFF  }
0xd5: {  	p0 =	sne.s32 s0, $0x0;
	s0 =	rddreg [dreg:$0x3]  }
0xd6: {  	s0 =	sadd.s32 @!p0 $0x100000, s0  }
0xd7: {  	[sflag:s0] =	ssyncadd.tile.s32 @!p0 $0x1;
	_ =	shalt  }
.Lfunc_end2:
_tile_overlayer_lowered:
.L_overlay_start_2:
0xd8: {  	(tag) =	ssettag $0x2  }
0xd9: {  	s0 =	rddreg [dreg:$0x0];
	s2 =	stileid.u32  }
0xda: {  	s1 =	rddreg [dreg:$0x1];
	p0 =	sne.s32 s2, $0x0  }
0xdb: {  	s3 =	rddreg [dreg:$0x2];
	[bflag:$0x3] =	sbarrier.arrive $0xFFFF;
	s2 =	simm.s32 @!p0 $0x1C06  }
0xdc: {  	[timem:s3], [sflag:s2] =	dma.local @!p0 [hbm:s0], s1  }
0xdd: {  	s0 =	simm.s32 @!p0 $0x6  }
0xde: {  	_ =	swait.ge @!p0 [sflag:s0], s1  }
0xdf: {  	s1 =	ssub.s32 @!p0 $0x0, s1;
	[sflag:s0] =	ssyncset.done @!p0 $0x0  }
0xe0: {  	[sflag:s0] =	ssyncadd.s32 @!p0 s1  }
0xe1: {  	[bflag:$0x3] =	sbarrier.arrive $0xFFFF  }
0xe2: {  	_ =	shalt  }

// kernel: kernel.9.cloned.1.call-start
scs
__scs_entry_jumppad:
0x0: {  	(pc) =	sbr.rel $0x88, $3  }
0x1: {  	(tag) =	ssettag $0x0;
	lr =	simm.s32 $0x1  }
0x2: {  	[smem:$0x3F9F] =	sst lr;
	_ =	strace $0xD0000000  }
0x3: {  	_ = 	snop  }
0x4: {  	_ = 	snop  }
0x5: {  	_ = 	snop  }
0x6: {  	_ = 	snop  }
0x7: {  	_ = 	snop  }
__scs_overlays_trampoline_lowered:
0x8: {  	[smem:$0x3FAE] =	sst s0  }
0x9: {  	[smem:$0x3FAF] =	sst s1  }
0xa: {  	[smem:$0x3FB0] =	sst s2  }
0xb: {  	[smem:$0x3FB1] =	sst s3  }
0xc: {  	[smem:$0x3FB2] =	sst s4  }
0xd: {  	[smem:$0x3FB3] =	sst s5  }
0xe: {  	[smem:$0x3FB4] =	sst s6  }
0xf: {  	[smem:$0x3FB5] =	sst s7  }
0x10: {  	[smem:$0x3FB6] =	sst s8  }
0x11: {  	[smem:$0x3FB7] =	sst s9;
	s0 =	simm.s32 @!p0 $0x0  }
0x12: {  	s1 =	sld [smem:$0x3F9D];
	s0 =	simm.s32 @p0 $0x1  }
0x13: {  	[smem:$0x3FB8] =	sst s0;
	s0 =	simm.s32 @!p1 $0x0  }
0x14: {  	s2 =	sld [smem:$0x3F9C];
	s0 =	simm.s32 @p1 $0x1  }
0x15: {  	[smem:$0x3FB9] =	sst s0;
	s0 =	simm.s32 @!p2 $0x0  }
0x16: {  	s3 =	sld [smem:$0x3FDB];
	s0 =	simm.s32 @p2 $0x1  }
0x17: {  	s4 =	simm.s32 $0x1BF5;
	[smem:$0x3FBB] =	sst s0  }
0x18: {  	s0 =	sld [smem:$0x3F9E];
	_ =	swait.ge [sflag:s4], $0x0  }
0x19: {  	s7 =	sld [smem:$0x3F9F]  }
0x1a: {  	s8 =	sadd.s32 $0xFFFFE003, lr  }
0x1b: {  	s9 =	sadd.s32 $0xFFFFFEF7, lr;
	s5 =	simm.s32 $0xFFFFFFFF;
	p2 =	slt.u32 s8, $0xFFFFF086  }
0x1c: {  	p1 =	slt.u32 s9, $0xF7A;
	s5 =	simm.s32 @!p2 $0x0  }
0x1d: {  	s5 =	simm.s32 @p1 $0x1;
	p0 =	seq.s32 s7, s2  }
0x1e: {  	s7 =	smul.u32 @!p0 $0xF7A, s2;
	p2 =	seq.s32 @!p0 s5, $0x0  }
0x1f: {  	s9 =	smul.u32 $0xF7A, s1;
	s8 =	simm.s32 @!p0 $0x1BF5;
	p2 =	por !p2, p0  }
0x20: {  	[sflag:s8] =	ssyncset.s32 @!p0 $0xFFFFF086;
	s6 =	sadd.s32 @!p0 s3, s7;
	s7 =	simm.s32 @!p0 $0x108  }
0x21: {  	s3 =	sadd.s32 s3, s9;
	s6 =	sadd.s32 @!p0 $0x88, s6;
	s7 =	simm.s32 @p2 $0x1082  }
0x22: {  	[simem:s7], [sflag:s8] =	dma.local @!p0 [hbm:s6], $0xF7A  }
0x23: {  	s9 =	sor.u32 $0xD0000000, s2;
	s6 =	simm.s32 $0x108;
	_ =	swait.ge @!p0 [sflag:s8], $0x0  }
0x24: {  	s3 =	sadd.s32 $0x88, s3;
	s6 =	simm.s32 @!p1 $0x1082;
	[sflag:s4] =	ssyncset.s32 $0xFFFFF086  }
0x25: {  	[simem:s6], [sflag:s4] =	dma.local [hbm:s3], $0xF7A  }
0x26: {  	[smem:$0x3F9F] =	sst s1;
	(tag) =	ssettag s2;
	_ =	strace s9  }
0x27: {  	s1 =	sld [smem:$0x3FAF]  }
0x28: {  	s2 =	sld [smem:$0x3FB0]  }
0x29: {  	s4 =	sld [smem:$0x3FB2]  }
0x2a: {  	p0 =	seq.s32 s5, $0x0;
	s5 =	sld [smem:$0x3FB3]  }
0x2b: {  	s6 =	sld [smem:$0x3FB4]  }
0x2c: {  	s7 =	sld [smem:$0x3FB5]  }
0x2d: {  	s3 =	simm.s32 $0x108;
	s8 =	sld [smem:$0x3FB6]  }
0x2e: {  	s3 =	simm.s32 @!p0 $0x1082;
	s9 =	sld [smem:$0x3FB7]  }
0x2f: {  	lr =	sadd.s32 s0, s3;
	s0 =	sld [smem:$0x3FAE]  }
0x30: {  	s3 =	sld [smem:$0x3FB1]  }
0x31: {  	[smem:$0x3FBA] =	sst s10  }
0x32: {  	s10 =	sld [smem:$0x3FB8];
	_ =	sdelay $0x3  }
0x33: {  	p0 =	seq.s32 s10, $0x1;
	s10 =	sld [smem:$0x3FBA];
	_ =	sdelay $0x3  }
0x34: {  	[smem:$0x3FBA] =	sst s10  }
0x35: {  	s10 =	sld [smem:$0x3FB9];
	_ =	sdelay $0x3  }
0x36: {  	p1 =	seq.s32 s10, $0x1;
	s10 =	sld [smem:$0x3FBA];
	_ =	sdelay $0x3  }
0x37: {  	[smem:$0x3FBA] =	sst s10  }
0x38: {  	s10 =	sld [smem:$0x3FBB]  }
0x39: {  	_ = 	snop;
	(pc) =	sbr.ind lr, $3  }
0x3a: {  	_ = 	snop  }
0x3b: {  	_ = 	snop  }
0x3c: {  	p2 =	seq.s32 s10, $0x1;
	s10 =	sld [smem:$0x3FBA]  }
0x3d: {  	_ =	shalt  }
0x3e: {  	_ =	shalt  }
0x3f: {  	_ =	shalt  }
0x40: {  	_ =	shalt  }
0x41: {  	_ =	shalt  }
0x42: {  	_ =	shalt  }
0x43: {  	_ =	shalt  }
0x44: {  	_ =	shalt  }
0x45: {  	_ =	shalt  }
0x46: {  	_ =	shalt  }
0x47: {  	_ =	shalt  }
0x48: {  	_ =	shalt  }
0x49: {  	_ =	shalt  }
0x4a: {  	_ =	shalt  }
0x4b: {  	_ =	shalt  }
0x4c: {  	_ =	shalt  }
0x4d: {  	_ =	shalt  }
0x4e: {  	_ =	shalt  }
0x4f: {  	_ =	shalt  }
0x50: {  	_ =	shalt  }
0x51: {  	_ =	shalt  }
0x52: {  	_ =	shalt  }
0x53: {  	_ =	shalt  }
0x54: {  	_ =	shalt  }
0x55: {  	_ =	shalt  }
0x56: {  	_ =	shalt  }
0x57: {  	_ =	shalt  }
0x58: {  	_ =	shalt  }
0x59: {  	_ =	shalt  }
0x5a: {  	_ =	shalt  }
0x5b: {  	_ =	shalt  }
0x5c: {  	_ =	shalt  }
0x5d: {  	_ =	shalt  }
0x5e: {  	_ =	shalt  }
0x5f: {  	_ =	shalt  }
0x60: {  	_ =	shalt  }
0x61: {  	_ =	shalt  }
0x62: {  	_ =	shalt  }
0x63: {  	_ =	shalt  }
0x64: {  	_ =	shalt  }
0x65: {  	_ =	shalt  }
0x66: {  	_ =	shalt  }
0x67: {  	_ =	shalt  }
0x68: {  	_ =	shalt  }
0x69: {  	_ =	shalt  }
0x6a: {  	_ =	shalt  }
0x6b: {  	_ =	shalt  }
0x6c: {  	_ =	shalt  }
0x6d: {  	_ =	shalt  }
0x6e: {  	_ =	shalt  }
0x6f: {  	_ =	shalt  }
0x70: {  	_ =	shalt  }
0x71: {  	_ =	shalt  }
0x72: {  	_ =	shalt  }
0x73: {  	_ =	shalt  }
0x74: {  	_ =	shalt  }
0x75: {  	_ =	shalt  }
0x76: {  	_ =	shalt  }
0x77: {  	_ =	shalt  }
0x78: {  	_ =	shalt  }
0x79: {  	_ =	shalt  }
0x7a: {  	_ =	shalt  }
0x7b: {  	_ =	shalt  }
0x7c: {  	_ =	shalt  }
0x7d: {  	_ =	shalt  }
0x7e: {  	_ =	shalt  }
0x7f: {  	_ =	shalt  }
0x80: {  	_ =	shalt  }
0x81: {  	_ =	shalt  }
0x82: {  	_ =	shalt  }
0x83: {  	_ =	shalt  }
0x84: {  	_ =	shalt  }
0x85: {  	_ =	shalt  }
0x86: {  	_ =	shalt  }
0x87: {  	_ =	shalt  }
.Lfunc_end0:
.L_simem_size_0:
called_computation.1_lowered:
.L_overlay_start_0:
0x88: {  	s2 =	sld [smem:$0x3FD9]  }
0x89: {  	s3 =	sld [smem:$0x3FFE];
	_ =	sdelay $0x1  }
0x8a: {  	s1 =	srdreg.scid  }
0x8b: {  	s0 =	sand.u32 $0x1, s1  }
0x8c: {  	s14 =	sshll.u32 s0, $0xA;
	s2 =	sadd.s32 s3, s2  }
0x8d: {  	s2 =	sadd.s32 s2, s14  }
0x8e: {  	[smem:$0x3FC6] =	sst s2  }
0x8f: {  	_ = 	snop  }
0x90: {  	s2 =	sld [smem:$0x3FD0];
	_ =	sdelay $0x2  }
0x91: {  	s15 =	simm.s32 $0xA;
	s4 =	simm.s32 $0x10  }
0x92: {  	[smem:s4], [sflag:s15] =	dma.local [hbm:s2], $0x1  }
0x93: {  	_ =	swait.eq [sflag:s15], $0x1  }
0x94: {  	[sflag:s15] =	ssyncset.done $0x0  }
0x95: {  	[sflag:s15] =	ssyncadd.s32 $0xFFFFFFFF  }
0x96: {  	s16 =	sld [smem:$0x10];
	(tm) =	ssettm $0x1  }
0x97: {  	s17 =	sld [smem:$0x3FFB];
	_ =	sdelay $0x3  }
0x98: {  	_ =	strace s17  }
0x99: {  	s3 =	sld [smem:$0x3FFC];
	_ =	sdelay $0x3  }
0x9a: {  	_ =	strace s3  }
0x9b: {  	s3 =	sld [smem:$0x3FFD];
	_ =	sdelay $0x3  }
0x9c: {  	_ =	strace s3  }
0x9d: {  	_ =	strace $0x8FFFFFFF  }
0x9e: {  	s18 =	sld [smem:$0x3FDB];
	_ =	sdelay $0x1  }
0x9f: {  	s19 =	simm.s32 $_scs_section_size  }
0xa0: {  	s5 =	simm.s32 $_size__tile_overlayer_lowered;
	s6 =	simm.s32 $_tile_overlayer_lowered  }
0xa1: {  	s22 =	simm.s32 $0x1BFF;
	s21 =	sshll.u32 s6, $0x1;
	s3 =	sadd.s32 s19, s18  }
0xa2: {  	s7 =	simm.s32 $0x0;
	s20 =	sshll.u32 s5, $0x1;
	s5 =	sadd.s32 s21, s3  }
0xa3: {  	[timem:s7], [sflag:s22] =	dma.local [hbm:s5], s20  }
0xa4: {  	_ =	swait.ge [sflag:s22], s20  }
0xa5: {  	s4 =	ssub.s32 $0x0, s20;
	[sflag:s22] =	ssyncset.done $0x0  }
0xa6: {  	[sflag:s22] =	ssyncadd.s32 s4;
	_ =	sdelay $0x1  }
0xa7: {  	s23 =	simm.s32 $0x1B8B  }
0xa8: {  	_ =	swait.ge [sflag:s23], $0x1  }
0xa9: {  	[sflag:s23] =	ssyncset.done $0x0  }
0xaa: {  	s25 =	simm.s32 $0x1B8E;
	s24 =	sld [smem:$0x3FFE];
	[sflag:s23] =	ssyncadd.s32 $0xFFFFFFFF  }
0xab: {  	s26 =	simm.s32 $execute0_lowered;
	[smem:$0x3FD2] =	sst s25  }
0xac: {  	s5 =	sshll.u32 s26, $0x1;
	_ =	strace $0x80000049;
	[dreg:$0x1] =	wrdreg $0xFFFFFFFF  }
0xad: {  	s28 =	simm.s32 $_size_execute0_lowered;
	s3 =	sadd.s32 s3, s5;
	[dreg:$0x0] =	wrdreg $0x0  }
0xae: {  	s5 =	sshll.u32 s28, $0x1;
	[dreg:$0x2] =	wrdreg s3  }
0xaf: {  	[dreg:$0x3] =	wrdreg s5  }
0xb0: {  	[dreg:$0x4] =	wrdreg $0xC0  }
0xb1: {  	_ =	task [dreg:s7], $0x5FFFF  }
0xb2: {  	[dreg:$0x1] =	wrdreg $0xFFFFFFFF  }
0xb3: {  	[dreg:$0x0] =	wrdreg $0x60  }
0xb4: {  	[dreg:$0x2] =	wrdreg s24  }
0xb5: {  	[dreg:$0x3] =	wrdreg s16  }
0xb6: {  	[dreg:$0x4] =	wrdreg $0x9  }
0xb7: {  	_ =	task.clear_ibuf [dreg:s7], $0x5FFFF;
	_ =	strace $0x90000049  }
0xb8: {  	s29 =	simm.s32 $0x9;
	_ =	strace $0x8000004B  }
0xb9: {  	_ =	swait.ge [sflag:s29], $0x1  }
0xba: {  	[sflag:s29] =	ssyncadd.s32 $0xFFFFFFFF  }
0xbb: {  	_ =	strace $0x9000004B  }
0xbc: {  	_ =	sfence  }
0xbd: {  	s30 =	sld [smem:$0x0];
	_ =	sdelay $0x2  }
0xbe: {  	s31 =	sshll.u32 s1, $0xD;
	s1 =	sshrl.u32 s1, $0x2  }
0xbf: {  	s3 =	sand.u32 $0x4000, s31;
	s1 =	sadd.s32 s1, s30  }
0xc0: {  	s0 =	sor.u32 s3, s0;
	s1 =	sshll.u32 s1, $0x11  }
0xc1: {  	s0 =	sor.u32 s1, s0  }
0xc2: {  	s0 =	sadd.s32 $0x8F2B, s0  }
0xc3: {  	[sflag:s0] =	ssyncadd.remote.s32 $0x1  }
0xc4: {  	_ =	sfence.sel $0xFFFF  }
0xc5: {  	[dreg:$0x0] =	wrdreg $0xFFFFFFFF;
	(pc) =	sbr.abs _section_cstart, $3  }
0xc6: {  	[dreg:$0x1] =	wrdreg $0xFFFFFFFF  }
0xc7: {  	_ =	task.clear_ibuf [dreg:s7], $0x2FFFF;
	_ =	strace $0x9FFFFFFF  }
0xc8: {  	(tm) =	ssettm $0x7FFFFFFF  }
0xc9: {  	_ =	shalt  }
tec
execute0_lowered:
.L_overlay_start_1:
0x0: {  	(tag) =	ssettag $0x1  }
0x1: {  	s0 =	rddreg [dreg:$0x0]  }
0x2: {  	s1 =	rddreg [dreg:$0x1]  }
0x3: {  	s3 =	simm.s32 $0x0;
	s2 =	srdreg.scid;
	s4 =	stileid.u32  }
0x4: {  	s12 =	simm.s32 $0x1;
	s13 =	simm.s32 $0x1000;
	s14 =	simm.s32 $0x2000  }
0x5: {  	s15 =	simm.s32 $0x4000;
	s16 =	simm.s32 $0x2;
	s17 =	simm.s32 $0x3000  }
0x6: {  	s18 =	simm.s32 $0x5000;
	s19 =	simm.s32 $0x3;
	s20 =	simm.s32 $0x6000  }
0x7: {  	s21 =	simm.s32 $0x4;
	s22 =	simm.s32 $0x6;
	s23 =	simm.s32 $0x7000  }
0x8: {  	s24 =	simm.s32 $0x5;
	s25 =	simm.s32 $0x0;
	[smem:$0x7FF] =	sst s3  }
0x9: {  	s2 =	sand.u32 $0x1, s2;
	s6 =	sshll.u32 s4, $0x11;
	s4 =	sadd.s32 $0x81C00, s0  }
0xa: {  	_ =	strace $0x8000004A;
	s5 =	sshll.u32 s2, $0x15;
	s2 =	ssub.s32 $0x2, s2  }
0xb: {  	s5 =	sor.u32 s6, s5;
	s6 =	sadd.s32 $0x101C00, s0;
	s29 =	sshrl.u32 s2, $0x1  }
0xc: {  	s8 =	sshrl.u32 s5, $0x3;
	s0 =	ssub.s32 s2, s29;
	s9 =	sor.u32 $0x2000, s5  }
0xd: {  	s30 =	sadd.s32 s4, s8;
	s31 =	sadd.s32 s8, s1;
	s8 =	sadd.s32 $0xFFFFF000, s5  }
0xe: {  	s11 =	smax.u32 s0, $0x1;
	[dreg:$0x3] =	wrdreg s30;
	s10 =	sadd.s32 $0x3E00, s31  }
.LBB2_1:
0xf: {  	s0 =	rddreg [dreg:$0x3];
	s26 =	simm.s32 $0x0  }
0x10: {  	[tilespmem:s3], [sflag:$0x1] =	stream.linear.gather [hbm4b:s0+s3], $0x1000, $0x38;
	[tilespmem:$0x8000] =	vst v63  }
.LBB2_2:
0x11: {  	_ =	swait.ge [sflag:s12], $0x1000  }
0x12: {  	[sflag:s12] =	ssyncset.done $0x0  }
0x13: {  	s0 =	simm.s32 $0x0;
	[sflag:s12] =	ssyncadd.s32 $0xFFFFF000  }
0x14: {  	v0 =	vld [tilespmem:s0+$0x0]  }
0x15: {  	s2 =	simm.s32 $0x40  }
.LBB2_3:
0x16: {  	p0 =	sne.s32 s2, $0x3FC0  }
.Ltmp0:
0x17: {  	_ = 	snop;
	(pc) =	sbr.rel @p0 .LBB2_3-.Ltmp0, $4  }
0x18: {  	_ = 	snop  }
0x19: {  	s28 =	sshra.s32 s2, $0x2;
	s2 =	sadd.s32 $0x40, s2;
	vm0 =	vlt.s32 v0, $0x3FFFFF  }
0x1a: {  	v1 =	vnsel vm0, $0x3FFFFF, v0;
	v0 =	vld [tilespmem:s28+$0x0]  }
0x1b: {  	[tilespmem:s0+$0x2000] =	vst v1;
	s0 =	smov.u32 s28  }
0x1c: {  	_ = 	snop  }
0x1d: {  	p0 =	seq.s32 s26, $0x0  }
.Ltmp1:
0x1e: {  	_ = 	snop;
	(pc) =	sbr.rel @p0 .LBB2_8-.Ltmp1, $4  }
0x1f: {  	vm0 =	vlt.s32 v0, $0x3FFFFF  }
0x20: {  	v0 =	vnsel vm0, $0x3FFFFF, v0  }
0x21: {  	s28 =	sshll.u32 s26, $0xD;
	[tilespmem:s0+$0x2000] =	vst v0  }
0x22: {  	[tilespmem:s15], [sflag:$0x3] =	stream.indirect.gather [hbm4b:s6+s13], $0x1, s14, s13, $0xb8;
	[tilespmem:$0x8000] =	vst v63  }
0x23: {  	_ =	swait.ge [sflag:s21], $0x1000  }
0x24: {  	p1 =	seq.s32 s26, $0x1;
	[sflag:s21] =	ssyncset.done $0x0  }
0x25: {  	s0 =	simm.s32 @!p1 $0x6;
	[sflag:s21] =	ssyncadd.s32 $0xFFFFF000  }
0x26: {  	_ =	swait.ge @!p1 [sflag:s0], $0x1000  }
0x27: {  	[sflag:s0] =	ssyncset.done @!p1 $0x0  }
0x28: {  	s31 =	simm.s32 $0x0;
	[sflag:s0] =	ssyncadd.s32 @!p1 $0xFFFFF000  }
0x29: {  	v0 =	vld [tilespmem:s31+$0x5000];
	_ =	sdelay $0x4  }
0x2a: {  	v0 =	vmax.f32 v0, $9.999999930e-09  }
0x2b: {  	(erf) = vrcp.f32 v0;
	_ =	sdelay $0x1  }
0x2c: {  	s29 =	simm.s32 $0x10  }
0x2d: {  	v0 =	vld [tilespmem:s29+$0x5000];
	_ =	sdelay $0x3  }
0x2e: {  	v1 =	vld [tilespmem:s31+$0x1000]  }
0x2f: {  	s30 =	simm.s32 $0x20;
	v2 =	vmax.f32 v0, $9.999999930e-09  }
0x30: {  	v0 =	vld [tilespmem:s30+$0x5000];
	v3 =	vpop (erf);
	(erf) = vrcp.f32 v2;
	_ =	sdelay $0x2  }
0x31: {  	vm0 =	vlt.s32 v1, $0x400000  }
0x32: {  	s0 =	simm.s32 $0xC0;
	v1 =	vld [tilespmem:s29+$0x1000];
	v2 =	vnsel vm0, $0x0, v3  }
.LBB2_6:
0x33: {  	s2 =	sshra.s32 s0, $0x2;
	p1 =	sne.s32 s0, $0x3FC0;
	s0 =	sadd.s32 $0x40, s0;
	v3 =	vmax.f32 v0, $9.999999930e-09;
	[tilespmem:s31+$0x7000] =	vst v2  }
.Ltmp2:
0x34: {  	s31 =	smov.u32 s29;
	s29 =	smov.u32 s30;
	v0 =	vld [tilespmem:s2+$0x5000];
	(erf) = vrcp.f32 v3;
	(pc) =	sbr.rel @p1 .LBB2_6-.Ltmp2, $3  }
0x35: {  	s30 =	smov.u32 s2;
	_ =	sdelay $0x1  }
0x36: {  	vm0 =	vlt.s32 v1, $0x400000;
	v2 =	vpop (erf)  }
0x37: {  	v1 =	vld [tilespmem:s29+$0x1000];
	v2 =	vnsel vm0, $0x0, v2  }
0x38: {  	v0 =	vmax.f32 v0, $9.999999930e-09  }
0x39: {  	(erf) = vrcp.f32 v0;
	_ =	sdelay $0x2  }
0x3a: {  	[tilespmem:s31+$0x7000] =	vst v2  }
0x3b: {  	v61 =	vld [tilespmem:s30+$0x1000];
	_ =	sdelay $0x3  }
0x3c: {  	vm0 =	vlt.s32 v1, $0x400000;
	v62 =	vpop (erf)  }
0x3d: {  	s0 =	sadd.s32 s28, s8;
	v1 =	vnsel vm0, $0x0, v62;
	vm15 =	vlt.s32 v61, $0x400000;
	v63 =	vpop (erf)  }
0x3e: {  	s0 =	sshrl.u32 s0, $0x3;
	[tilespmem:s29+$0x7000] =	vst v1;
	v0 =	vnsel vm15, $0x0, v63  }
0x3f: {  	s0 =	sadd.s32 s1, s0;
	[tilespmem:s30+$0x7000] =	vst v0  }
0x40: {  	[hbm4b:s0+s3] =	stream.linear.scatter [tilespmem:s23], [sflag:$0x6], $0x1000, $0x38;
	[tilespmem:$0x8000] =	vst v63  }
.LBB2_8:
0x41: {  	s0 =	sor.u32 s28, s5  }
0x42: {  	s29 =	sshrl.u32 s0, $0x3  }
0x43: {  	s0 =	sadd.s32 s29, s4  }
0x44: {  	s2 =	simm.s32 $0x0;
	s0 =	sadd.s32 $0x200, s0  }
0x45: {  	[tilespmem:s13], [sflag:$0x2] =	stream.linear.gather [hbm4b:s0+s2], $0x1000, $0x38;
	[tilespmem:$0x8000] =	vst v63  }
0x46: {  	_ =	swait.ge [sflag:s16], $0x1000  }
0x47: {  	[sflag:s16] =	ssyncset.done $0x0  }
0x48: {  	s0 =	simm.s32 $0x0;
	[sflag:s16] =	ssyncadd.s32 $0xFFFFF000  }
0x49: {  	v0 =	vld [tilespmem:s0+$0x1000]  }
0x4a: {  	s2 =	simm.s32 $0x40  }
.LBB2_9:
0x4b: {  	p1 =	sne.s32 s2, $0x3FC0  }
.Ltmp3:
0x4c: {  	_ = 	snop;
	(pc) =	sbr.rel @p1 .LBB2_9-.Ltmp3, $4  }
0x4d: {  	_ = 	snop  }
0x4e: {  	s30 =	sshra.s32 s2, $0x2;
	s2 =	sadd.s32 $0x40, s2;
	vm0 =	vlt.s32 v0, $0x3FFFFF  }
0x4f: {  	v1 =	vnsel vm0, $0x3FFFFF, v0;
	v0 =	vld [tilespmem:s30+$0x1000]  }
0x50: {  	[tilespmem:s0+$0x3000] =	vst v1;
	s0 =	smov.u32 s30  }
0x51: {  	_ =	sdelay $0x2  }
0x52: {  	vm0 =	vlt.s32 v0, $0x3FFFFF  }
0x53: {  	v0 =	vnsel vm0, $0x3FFFFF, v0  }
0x54: {  	[tilespmem:s0+$0x3000] =	vst v0  }
0x55: {  	[tilespmem:s18], [sflag:$0x4] =	stream.indirect.gather [hbm4b:s6+s13], $0x1, s17, s13, $0xb8;
	[tilespmem:$0x8000] =	vst v63  }
0x56: {  	_ =	swait.ge [sflag:s19], $0x1000  }
0x57: {  	[sflag:s19] =	ssyncset.done $0x0  }
0x58: {  	s0 =	simm.s32 @!p0 $0x5;
	[sflag:s19] =	ssyncadd.s32 $0xFFFFF000  }
0x59: {  	_ =	swait.ge @!p0 [sflag:s0], $0x1000  }
0x5a: {  	[sflag:s0] =	ssyncset.done @!p0 $0x0  }
0x5b: {  	[sflag:s0] =	ssyncadd.s32 @!p0 $0xFFFFF000;
	s0 =	simm.s32 $0x0  }
0x5c: {  	v0 =	vld [tilespmem:s0+$0x4000];
	_ =	sdelay $0x4  }
0x5d: {  	v0 =	vmax.f32 v0, $9.999999930e-09  }
0x5e: {  	(erf) = vrcp.f32 v0;
	_ =	sdelay $0x1  }
0x5f: {  	s30 =	simm.s32 $0x10  }
0x60: {  	v0 =	vld [tilespmem:s30+$0x4000];
	_ =	sdelay $0x3  }
0x61: {  	v1 =	vld [tilespmem:s0+$0x0]  }
0x62: {  	s31 =	simm.s32 $0x20;
	v2 =	vmax.f32 v0, $9.999999930e-09  }
0x63: {  	v0 =	vld [tilespmem:s31+$0x4000];
	v3 =	vpop (erf);
	(erf) = vrcp.f32 v2;
	_ =	sdelay $0x2  }
0x64: {  	vm15 =	vlt.s32 v1, $0x400000  }
0x65: {  	s2 =	simm.s32 $0xC0;
	v1 =	vld [tilespmem:s30+$0x0];
	v2 =	vnsel vm15, $0x0, v3  }
.LBB2_11:
0x66: {  	s7 =	sshra.s32 s2, $0x2;
	p0 =	sne.s32 s2, $0x3FC0;
	s2 =	sadd.s32 $0x40, s2;
	v3 =	vmax.f32 v0, $9.999999930e-09;
	[tilespmem:s0+$0x6000] =	vst v2  }
.Ltmp4:
0x67: {  	s0 =	smov.u32 s30;
	s30 =	smov.u32 s31;
	v0 =	vld [tilespmem:s7+$0x4000];
	(erf) = vrcp.f32 v3;
	(pc) =	sbr.rel @p0 .LBB2_11-.Ltmp4, $3  }
0x68: {  	s31 =	smov.u32 s7;
	_ =	sdelay $0x1  }
0x69: {  	vm0 =	vlt.s32 v1, $0x400000;
	v2 =	vpop (erf)  }
0x6a: {  	v1 =	vld [tilespmem:s30+$0x0];
	v2 =	vnsel vm0, $0x0, v2  }
0x6b: {  	v0 =	vmax.f32 v0, $9.999999930e-09  }
0x6c: {  	(erf) = vrcp.f32 v0;
	_ =	sdelay $0x2  }
0x6d: {  	[tilespmem:s0+$0x6000] =	vst v2  }
0x6e: {  	v61 =	vld [tilespmem:s31+$0x0];
	_ =	sdelay $0x2  }
0x6f: {  	p0 =	seq.s32 s26, $0xF  }
.Ltmp5:
0x70: {  	vm0 =	vlt.s32 v1, $0x400000;
	v62 =	vpop (erf);
	(pc) =	sbr.rel @p0 .LBB2_14-.Ltmp5, $4  }
0x71: {  	v1 =	vnsel vm0, $0x0, v62;
	vm15 =	vlt.s32 v61, $0x400000;
	v63 =	vpop (erf)  }
0x72: {  	[tilespmem:s30+$0x6000] =	vst v1;
	v0 =	vnsel vm15, $0x0, v63  }
0x73: {  	[tilespmem:s31+$0x6000] =	vst v0;
	s31 =	sadd.s32 s1, s29  }
0x74: {  	[hbm4b:s31+s3] =	stream.linear.scatter [tilespmem:s20], [sflag:$0x5], $0x1000, $0x38;
	[tilespmem:$0x8000] =	vst v63  }
.Ltmp6:
0x75: {  	(pc) =	sbr.rel .LBB2_2-.Ltmp6, $4  }
0x76: {  	s0 =	sadd.s32 s28, s9  }
0x77: {  	s0 =	sshrl.u32 s0, $0x3  }
0x78: {  	s26 =	sadd.s32 $0x1, s26;
	s0 =	sadd.s32 s4, s0  }
0x79: {  	[tilespmem:s3], [sflag:$0x1] =	stream.linear.gather [hbm4b:s0+s3], $0x1000, $0x38;
	[tilespmem:$0x8000] =	vst v63  }
.LBB2_14:
0x7a: {  	_ =	swait.ge [sflag:s21], $0x1000  }
0x7b: {  	[sflag:s21] =	ssyncset.done $0x0  }
0x7c: {  	[sflag:s21] =	ssyncadd.s32 $0xFFFFF000  }
0x7d: {  	_ =	swait.ge [sflag:s22], $0x1000  }
0x7e: {  	[sflag:s22] =	ssyncset.done $0x0  }
0x7f: {  	s0 =	simm.s32 $0x0;
	[sflag:s22] =	ssyncadd.s32 $0xFFFFF000  }
0x80: {  	v0 =	vld [tilespmem:s0+$0x5000];
	_ =	sdelay $0x4  }
0x81: {  	v0 =	vmax.f32 v0, $9.999999930e-09  }
0x82: {  	(erf) = vrcp.f32 v0;
	_ =	sdelay $0x1  }
0x83: {  	s26 =	simm.s32 $0x10  }
0x84: {  	v0 =	vld [tilespmem:s26+$0x5000];
	_ =	sdelay $0x3  }
0x85: {  	v1 =	vld [tilespmem:s0+$0x1000]  }
0x86: {  	s28 =	simm.s32 $0x20;
	v2 =	vmax.f32 v0, $9.999999930e-09  }
0x87: {  	v0 =	vld [tilespmem:s28+$0x5000];
	v3 =	vpop (erf);
	(erf) = vrcp.f32 v2;
	_ =	sdelay $0x2  }
0x88: {  	vm0 =	vlt.s32 v1, $0x400000  }
0x89: {  	s2 =	simm.s32 $0xC0;
	v1 =	vld [tilespmem:s26+$0x1000];
	v2 =	vnsel vm0, $0x0, v3  }
.LBB2_15:
0x8a: {  	s7 =	sshra.s32 s2, $0x2;
	p0 =	sne.s32 s2, $0x3FC0;
	s2 =	sadd.s32 $0x40, s2;
	v3 =	vmax.f32 v0, $9.999999930e-09;
	[tilespmem:s0+$0x7000] =	vst v2  }
.Ltmp7:
0x8b: {  	s0 =	smov.u32 s26;
	s26 =	smov.u32 s28;
	v0 =	vld [tilespmem:s7+$0x5000];
	(erf) = vrcp.f32 v3;
	(pc) =	sbr.rel @p0 .LBB2_15-.Ltmp7, $3  }
0x8c: {  	s28 =	smov.u32 s7;
	_ =	sdelay $0x1  }
0x8d: {  	vm0 =	vlt.s32 v1, $0x400000;
	v2 =	vpop (erf)  }
0x8e: {  	v1 =	vld [tilespmem:s26+$0x1000];
	v2 =	vnsel vm0, $0x0, v2  }
0x8f: {  	v0 =	vmax.f32 v0, $9.999999930e-09  }
0x90: {  	(erf) = vrcp.f32 v0;
	_ =	sdelay $0x2  }
0x91: {  	[tilespmem:s0+$0x7000] =	vst v2  }
0x92: {  	v61 =	vld [tilespmem:s28+$0x1000];
	_ =	sdelay $0x3  }
0x93: {  	vm0 =	vlt.s32 v1, $0x400000;
	v62 =	vpop (erf)  }
0x94: {  	v1 =	vnsel vm0, $0x0, v62;
	vm15 =	vlt.s32 v61, $0x400000;
	v63 =	vpop (erf)  }
0x95: {  	[tilespmem:s26+$0x7000] =	vst v1;
	v0 =	vnsel vm15, $0x0, v63  }
0x96: {  	s25 =	sadd.s32 $0x1, s25;
	[tilespmem:s28+$0x7000] =	vst v0  }
0x97: {  	[hbm4b:s10+s3] =	stream.linear.scatter [tilespmem:s23], [sflag:$0x6], $0x1000, $0x38;
	[tilespmem:$0x8000] =	vst v63  }
0x98: {  	p0 =	sne.s32 s25, s11;
	_ =	swait.ge [sflag:s24], $0x1000  }
.Ltmp8:
0x99: {  	[sflag:s24] =	ssyncset.done $0x0;
	(pc) =	sbr.rel @p0 .LBB2_1-.Ltmp8, $4  }
0x9a: {  	[sflag:s24] =	ssyncadd.s32 $0xFFFFF000  }
0x9b: {  	_ =	swait.ge [sflag:s22], $0x1000  }
0x9c: {  	[sflag:s22] =	ssyncset.done $0x0  }
0x9d: {  	[sflag:s22] =	ssyncadd.s32 $0xFFFFF000  }
0x9e: {  	_ =	sfence.sel $0x180000  }
0x9f: {  	[bflag:$0x0] =	sbarrier.arrive $0xFFFF  }
0xa0: {  	_ =	strace $0x9000004A  }
0xa1: {  	s0 =	stileid.u32;
	[bflag:$0x2] =	sbarrier.arrive $0xFFFF  }
0xa2: {  	p0 =	sne.s32 s0, $0x0;
	s0 =	rddreg [dreg:$0x2]  }
0xa3: {  	s0 =	sadd.s32 @!p0 $0x100000, s0  }
0xa4: {  	[sflag:s0] =	ssyncadd.tile.s32 @!p0 $0x1;
	_ =	shalt  }
.Lfunc_end2:
_tile_overlayer_lowered:
.L_overlay_start_2:
0xa5: {  	(tag) =	ssettag $0x2  }
0xa6: {  	s0 =	rddreg [dreg:$0x0];
	s2 =	stileid.u32  }
0xa7: {  	s1 =	rddreg [dreg:$0x1];
	p0 =	sne.s32 s2, $0x0  }
0xa8: {  	s3 =	rddreg [dreg:$0x2];
	[bflag:$0x3] =	sbarrier.arrive $0xFFFF;
	s2 =	simm.s32 @!p0 $0x1C07  }
0xa9: {  	[timem:s3], [sflag:s2] =	dma.local @!p0 [hbm:s0], s1  }
0xaa: {  	s0 =	simm.s32 @!p0 $0x7  }
0xab: {  	_ =	swait.ge @!p0 [sflag:s0], s1  }
0xac: {  	s1 =	ssub.s32 @!p0 $0x0, s1;
	[sflag:s0] =	ssyncset.done @!p0 $0x0  }
0xad: {  	[sflag:s0] =	ssyncadd.s32 @!p0 s1  }
0xae: {  	[bflag:$0x3] =	sbarrier.arrive $0xFFFF  }
0xaf: {  	_ =	shalt  }

</sc_bundles>
